<compile_context>
chip_gen: v7x
topology: tpu7x:2x2x1
jax: 0.10.2.dev20260603
libtpu: 0.0.44.dev20260713+nightly
codegen_flags: <defaults>
</compile_context>

<pallas_src>
import functools

import jax
import jax.numpy as jnp
from jax import lax
from jax.experimental import pallas as pl
from jax.experimental.pallas import tpu as pltpu
from jax.experimental.pallas import tpu_sc as plsc

N_NODES = 10000
D = 128
N_EDGES = 320000

NC = 2
NS = 16
NW = NC * NS
EPW = N_EDGES // NW
CH = 400
NCHUNK = EPW // CH
NPS = N_NODES // NS
RB = 2000
G = N_NODES // RB

@functools.cache
def _make_degree_hist():
    mesh = plsc.VectorSubcoreMesh(core_axis_name="c", subcore_axis_name="s")
    return pl.kernel(
        _degree_hist_body,
        mesh=mesh,
        compiler_params=pltpu.CompilerParams(
            needs_layout_passes=False, use_tc_tiling_on_sc=False),
        out_type=jax.ShapeDtypeStruct((NW, N_NODES), jnp.float32),
        scratch_types=[
            pltpu.VMEM((EPW,), jnp.int32),
            pltpu.VMEM((N_NODES,), jnp.float32),
        ],
    )


def _degree_hist_body(ei_hbm, out_hbm, dst_v, hist_v):
    cid = lax.axis_index("c")
    sid = lax.axis_index("s")
    wid = sid * NC + cid
    pltpu.sync_copy(ei_hbm.at[1, pl.ds(wid * EPW, EPW)], dst_v)

    zeros = jnp.zeros((16,), jnp.float32)

    def zero_body(i, _):
        hist_v[pl.ds(i * 16, 16)] = zeros
        return ()

    lax.fori_loop(0, N_NODES // 16, zero_body, ())

    ones = jnp.ones((16,), jnp.float32)

    def body(i, _):
        idx = dst_v[pl.ds(i * 16, 16)]
        plsc.addupdate_scatter(hist_v, [idx], ones)
        return ()

    lax.fori_loop(0, EPW // 16, body, ())
    pltpu.sync_copy(hist_v, out_hbm.at[wid])


@functools.cache
def _make_edge_aggregate():
    mesh = plsc.VectorSubcoreMesh(core_axis_name="c", subcore_axis_name="s")
    return pl.kernel(
        _edge_aggregate_body,
        mesh=mesh,
        compiler_params=pltpu.CompilerParams(
            needs_layout_passes=False, use_tc_tiling_on_sc=False),
        out_type=jax.ShapeDtypeStruct((NC, N_NODES, D), jnp.bfloat16),
        scratch_types=[
            pltpu.VMEM((EPW,), jnp.int32),
            pltpu.VMEM((EPW,), jnp.int32),
            pltpu.VMEM((CH, D), jnp.bfloat16),
            pltpu.VMEM((CH, D), jnp.bfloat16),
            pltpu.VMEM_SHARED((N_NODES, D), jnp.bfloat16),
            pltpu.SemaphoreType.DMA,
            pltpu.SemaphoreType.DMA,
        ],
    )


def _edge_aggregate_body(h_hbm, ei_hbm, out_hbm,
                         src_v, dst_v, rows_a, rows_b, acc_sh,
                         sem_ga, sem_gb):
    cid = lax.axis_index("c")
    sid = lax.axis_index("s")
    wid = sid * NC + cid

    def sidx(j):
        return src_v.at[pl.ds(j * CH, CH)]

    def didx(j):
        return dst_v.at[pl.ds(j * CH, CH)]

    def g_start(j, buf, sem):
        pltpu.async_copy(h_hbm.at[sidx(j)], buf, sem)

    def g_wait(buf, sem):
        pltpu.make_async_copy(h_hbm.at[sidx(0)], buf, sem).wait()

    def s_sync(j, buf):
        pltpu.sync_copy(buf, acc_sh.at[didx(j)], add=True)

    pltpu.sync_copy(ei_hbm.at[0, pl.ds(wid * EPW, EPW)], src_v)
    g_start(0, rows_a, sem_ga)
    pltpu.sync_copy(ei_hbm.at[1, pl.ds(wid * EPW, EPW)], dst_v)

    zeros = jnp.zeros((32,), jnp.bfloat16)

    def zero_body(i, _):
        rows_b[i // 4, pl.ds((i % 4) * 32, 32)] = zeros
        return ()

    lax.fori_loop(0, CH * (D // 32), zero_body, ())
    for k in range(NPS // CH):
        pltpu.sync_copy(rows_b, acc_sh.at[pl.ds(sid * NPS + k * CH, CH)])
    tail = NPS - (NPS // CH) * CH
    if tail:
        pltpu.sync_copy(rows_b.at[pl.ds(0, tail)],
                        acc_sh.at[pl.ds(sid * NPS + (NPS // CH) * CH, tail)])
    plsc.subcore_barrier()


    def chunk_pair(i, _):
        j0 = i * 2
        g_start(j0 + 1, rows_b, sem_gb)
        g_wait(rows_a, sem_ga)
        s_sync(j0, rows_a)
        g_start(j0 + 2, rows_a, sem_ga)
        g_wait(rows_b, sem_gb)
        s_sync(j0 + 1, rows_b)
        return ()

    if NCHUNK % 2:
        lax.fori_loop(0, (NCHUNK - 1) // 2, chunk_pair, ())
        g_wait(rows_a, sem_ga)
        s_sync(NCHUNK - 1, rows_a)
    else:
        lax.fori_loop(0, (NCHUNK - 2) // 2, chunk_pair, ())
        g_start(NCHUNK - 1, rows_b, sem_gb)
        g_wait(rows_a, sem_ga)
        s_sync(NCHUNK - 2, rows_a)
        g_wait(rows_b, sem_gb)
        s_sync(NCHUNK - 1, rows_b)
    plsc.subcore_barrier()
    pltpu.sync_copy(acc_sh.at[pl.ds(sid * NPS, NPS)],
                    out_hbm.at[cid, pl.ds(sid * NPS, NPS)])


def _tc1_body(hist_ref, x_ref, w_ref, dinv_ref, hs_ref):
    deg = jnp.sum(hist_ref[...], axis=1, keepdims=True) + 1.0
    dinv = lax.rsqrt(deg)
    h = jnp.dot(x_ref[...], w_ref[...], preferred_element_type=jnp.float32)
    dinv_ref[...] = dinv
    hs_ref[...] = (h * dinv).astype(jnp.bfloat16)


_tc1 = pl.pallas_call(
    _tc1_body,
    grid=(G,),
    in_specs=[
        pl.BlockSpec((RB, NW), lambda i: (i, 0)),
        pl.BlockSpec((RB, D), lambda i: (i, 0)),
        pl.BlockSpec((D, D), lambda i: (0, 0)),
    ],
    out_specs=[
        pl.BlockSpec((RB, 1), lambda i: (i, 0)),
        pl.BlockSpec((RB, D), lambda i: (i, 0)),
    ],
    out_shape=[
        jax.ShapeDtypeStruct((N_NODES, 1), jnp.float32),
        jax.ShapeDtypeStruct((N_NODES, D), jnp.bfloat16),
    ],
)


def _tc2_body(agg_ref, hs_ref, dinv_ref, b_ref, w_ref, out_ref):
    dinv = dinv_ref[...]
    s = (agg_ref[0].astype(jnp.float32) + agg_ref[1].astype(jnp.float32)
         + hs_ref[...].astype(jnp.float32))
    z = jnp.maximum(dinv * s + b_ref[...], 0.0)
    h2 = jnp.dot(z, w_ref[...], preferred_element_type=jnp.float32)
    out_ref[...] = (h2 * dinv).astype(jnp.bfloat16)


_tc2 = pl.pallas_call(
    _tc2_body,
    grid=(G,),
    in_specs=[
        pl.BlockSpec((NC, RB, D), lambda i: (0, i, 0)),
        pl.BlockSpec((RB, D), lambda i: (i, 0)),
        pl.BlockSpec((RB, 1), lambda i: (i, 0)),
        pl.BlockSpec((1, D), lambda i: (0, 0)),
        pl.BlockSpec((D, D), lambda i: (0, 0)),
    ],
    out_specs=pl.BlockSpec((RB, D), lambda i: (i, 0)),
    out_shape=jax.ShapeDtypeStruct((N_NODES, D), jnp.bfloat16),
)


def _tc3_body(agg_ref, hs_ref, dinv_ref, b_ref, out_ref):
    dinv = dinv_ref[...]
    s = (agg_ref[0].astype(jnp.float32) + agg_ref[1].astype(jnp.float32)
         + hs_ref[...].astype(jnp.float32))
    out_ref[...] = dinv * s + b_ref[...]


_tc3 = pl.pallas_call(
    _tc3_body,
    grid=(G,),
    in_specs=[
        pl.BlockSpec((NC, RB, D), lambda i: (0, i, 0)),
        pl.BlockSpec((RB, D), lambda i: (i, 0)),
        pl.BlockSpec((RB, 1), lambda i: (i, 0)),
        pl.BlockSpec((1, D), lambda i: (0, 0)),
    ],
    out_specs=pl.BlockSpec((RB, D), lambda i: (i, 0)),
    out_shape=jax.ShapeDtypeStruct((N_NODES, D), jnp.float32),
)


def kernel(x, edge_index, W1, b1, W2, b2):
    ei = edge_index.astype(jnp.int32)

    degree_hist = _make_degree_hist()
    edge_aggregate = _make_edge_aggregate()

    hist = degree_hist(ei)
    dinv, hs1 = _tc1(hist.T, x, W1)
    agg1 = edge_aggregate(hs1, ei)
    hs2 = _tc2(agg1, hs1, dinv, b1.reshape(1, D), W2)
    agg2 = edge_aggregate(hs2, ei)
    out = _tc3(agg2, hs2, dinv, b2.reshape(1, D))
    return out

# --- scband reference (transcript-rebuilt; emitter-appended) ---
"""Pipeline reference for scband-gnn-7730941133279 (READ-ONLY COPY).

The authoritative reference and input builder live on the scoring server;
editing this copy changes nothing except your own understanding.
"""

import jax, jax.numpy as jnp
import numpy as np

N_NODES = 10000
D_FEAT = 128
N_EDGES = 320000


def gcn_conv(x, edge_index, W, b, n_nodes):
    # GCNConv: add self-loops, symmetric normalization, linear transform, scatter-add aggregation
    loop = jnp.arange(n_nodes, dtype=edge_index.dtype)
    src = jnp.concatenate([edge_index[0], loop])
    dst = jnp.concatenate([edge_index[1], loop])
    ones = jnp.ones(src.shape[0], dtype=x.dtype)
    deg = jax.ops.segment_sum(ones, dst, num_segments=n_nodes)
    deg_inv_sqrt = jnp.where(deg > 0, jax.lax.rsqrt(jnp.maximum(deg, 1e-12)), 0.0)
    norm = deg_inv_sqrt[src] * deg_inv_sqrt[dst]
    h = x @ W  # dense transform [N, d_out]
    msg = h[src] * norm[:, None]  # gather + scale
    out = jax.ops.segment_sum(msg, dst, num_segments=n_nodes)  # scatter-add
    return out + b


def setup_inputs(seed: int = 0) -> dict:
    key = jax.random.key(seed)
    k1, k2, k3, k4 = jax.random.split(key, 4)
    x = jax.random.normal(k1, (N_NODES, D_FEAT), dtype=jnp.float32)
    edge_index = jax.random.randint(k2, (2, N_EDGES), 0, N_NODES, dtype=jnp.int64)
    # Glorot-style init for the two GCNConv layers
    s = 1.0 / np.sqrt(D_FEAT)
    W1 = jax.random.uniform(k3, (D_FEAT, D_FEAT), dtype=jnp.float32, minval=-s, maxval=s)
    b1 = jnp.zeros((D_FEAT,), dtype=jnp.float32)
    W2 = jax.random.uniform(k4, (D_FEAT, D_FEAT), dtype=jnp.float32, minval=-s, maxval=s)
    b2 = jnp.zeros((D_FEAT,), dtype=jnp.float32)
    return {"x": x, "edge_index": edge_index, "W1": W1, "b1": b1, "W2": W2, "b2": b2}


def reference(x, edge_index, W1, b1, W2, b2):
    # forward of GNN(layers=[GCNConv(128,128), ReLU(), GCNConv(128,128)])
    h = gcn_conv(x, edge_index, W1, b1, N_NODES)
    h = jax.nn.relu(h)
    out = gcn_conv(h, edge_index, W2, b2, N_NODES)
    return out

if __name__ == "__main__":
    import jax
    _d = setup_inputs()
    print(jax.jit(kernel)(*tuple(_d.values())))

</pallas_src>

<mosaic_0001>
#map = affine_map<(d0, d1) -> (0, 0)>
module attributes {stable_mosaic.version = 14 : i64} {
  func.func @_degree_hist_body(%arg0: i32, %arg1: i32, %arg2: memref<2x320000xi32, #tpu.memory_space<hbm>>, %arg3: memref<32x10000xf32, #tpu.memory_space<hbm>>, %arg4: memref<10000xi32, #tpu.memory_space<vmem>>, %arg5: memref<10000xf32, #tpu.memory_space<vmem>>) attributes {dimension_semantics = [#tpu.dimension_semantics<core_parallel>, #tpu.dimension_semantics<subcore_parallel>], iteration_bounds = array<i64: 2, 16>, scalar_prefetch = 0 : i64, scratch_operands = 2 : i64, tpu.core_type = #tpu.core_type<sc_vector_subcore>, window_params = [{transform_indices = #map}, {transform_indices = #map}]} {
    %mul3A = arith.constant 2 : i32
    %mul3A_0 = arith.muli %arg1, %mul3A : i32
    %add3A = arith.addi %mul3A_0, %arg0 : i32
    %mul3A_1 = arith.constant 10000 : i32
    %mul3A_2 = arith.muli %add3A, %mul3A_1 : i32
    %run_scoped3A = arith.constant 1 : i32
    "tpu.region"() ({
      %run_scoped3A_15 = tpu.sem_alloc : memref<!tpu.dma_semaphore, #tpu.memory_space<semaphore_mem>>
      %dma_start3A = tpu.memref_slice %arg2[%run_scoped3A, %mul3A_2] : memref<2x320000xi32, #tpu.memory_space<hbm>> -> memref<1x10000xi32, #tpu.memory_space<hbm>>
      %dma_start3A_16 = tpu.memref_squeeze %dma_start3A : memref<1x10000xi32, #tpu.memory_space<hbm>> -> memref<10000xi32, #tpu.memory_space<hbm>>
      %dma_start3A_17 = tpu.memref_slice %arg2[%run_scoped3A, %mul3A_2] : memref<2x320000xi32, #tpu.memory_space<hbm>> -> memref<1x10000xi32, #tpu.memory_space<hbm>>
      %dma_start3A_18 = tpu.memref_squeeze %dma_start3A_17 : memref<1x10000xi32, #tpu.memory_space<hbm>> -> memref<10000xi32, #tpu.memory_space<hbm>>
      tpu.enqueue_dma source(%dma_start3A_18 : memref<10000xi32, #tpu.memory_space<hbm>>) target(%arg4 : memref<10000xi32, #tpu.memory_space<vmem>>) target_semaphore(%run_scoped3A_15 : memref<!tpu.dma_semaphore, #tpu.memory_space<semaphore_mem>>)
      %dma_wait3A = tpu.memref_slice %arg2[%run_scoped3A, %mul3A_2] : memref<2x320000xi32, #tpu.memory_space<hbm>> -> memref<1x10000xi32, #tpu.memory_space<hbm>>
      %dma_wait3A_19 = tpu.memref_squeeze %dma_wait3A : memref<1x10000xi32, #tpu.memory_space<hbm>> -> memref<10000xi32, #tpu.memory_space<hbm>>
      %dma_wait3A_20 = tpu.memref_slice %arg2[%run_scoped3A, %mul3A_2] : memref<2x320000xi32, #tpu.memory_space<hbm>> -> memref<1x10000xi32, #tpu.memory_space<hbm>>
      %dma_wait3A_21 = tpu.memref_squeeze %dma_wait3A_20 : memref<1x10000xi32, #tpu.memory_space<hbm>> -> memref<10000xi32, #tpu.memory_space<hbm>>
      tpu.wait_dma2 semaphore(%run_scoped3A_15 : memref<!tpu.dma_semaphore, #tpu.memory_space<semaphore_mem>>) src(%dma_wait3A_21 : memref<10000xi32, #tpu.memory_space<hbm>>) dst(%arg4 : memref<10000xi32, #tpu.memory_space<vmem>>)
      tpu.yield
    }) : () -> ()
    %broadcast_in_dim3A = arith.constant 0.000000e+00 : f32
    %broadcast_in_dim3A_3 = vector.broadcast %broadcast_in_dim3A : f32 to vector<16xf32>
    %scan3A = arith.constant 0 : i32
    %scan3A_4 = arith.constant 625 : i32
    %scan3A_5 = arith.addi %scan3A, %scan3A_4 : i32
    %scan3A_6 = arith.constant 1 : i32
    scf.for %scan3A_15 = %scan3A to %scan3A_5 step %scan3A_6  : i32 {
      %mul3A_16 = arith.constant 16 : i32
      %mul3A_17 = arith.muli %scan3A_15, %mul3A_16 : i32
      %swap3A = arith.index_cast %mul3A_17 : i32 to index
      %swap3A_18 = tpu.vector_load %arg5[%swap3A] {strides = array<i32>} : memref<10000xf32, #tpu.memory_space<vmem>>, vector<16xf32>,
      tpu.vector_store %arg5[%swap3A], %broadcast_in_dim3A_3 {strides = array<i32>} : memref<10000xf32, #tpu.memory_space<vmem>>, vector<16xf32>,
    }
    %scan3A_7 = arith.constant 625 : i32
    %broadcast_in_dim3A_8 = arith.constant 1.000000e+00 : f32
    %broadcast_in_dim3A_9 = vector.broadcast %broadcast_in_dim3A_8 : f32 to vector<16xf32>
    %scan3A_10 = arith.constant 0 : i32
    %scan3A_11 = arith.constant 625 : i32
    %scan3A_12 = arith.addi %scan3A_10, %scan3A_11 : i32
    %scan3A_13 = arith.constant 1 : i32
    scf.for %scan3A_15 = %scan3A_10 to %scan3A_12 step %scan3A_13  : i32 {
      %mul3A_16 = arith.constant 16 : i32
      %mul3A_17 = arith.muli %scan3A_15, %mul3A_16 : i32
      %get3A = arith.index_cast %mul3A_17 : i32 to index
      %get3A_18 = tpu.vector_load %arg4[%get3A] {strides = array<i32>} : memref<10000xi32, #tpu.memory_space<vmem>>, vector<16xi32>,
      tpu.vector_store_idx %arg5[%get3A_18], %broadcast_in_dim3A_9 {add = true} : memref<10000xf32, #tpu.memory_space<vmem>>[vector<16xi32>], vector<16xf32>,
    }
    %scan3A_14 = arith.constant 625 : i32
    "tpu.region"() ({
      %run_scoped3A_15 = tpu.sem_alloc : memref<!tpu.dma_semaphore, #tpu.memory_space<semaphore_mem>>
      %dma_start3A = arith.constant 0 : i32
      %dma_start3A_16 = tpu.memref_slice %arg3[%add3A, %dma_start3A] : memref<32x10000xf32, #tpu.memory_space<hbm>> -> memref<1x10000xf32, #tpu.memory_space<hbm>>
      %dma_start3A_17 = tpu.memref_squeeze %dma_start3A_16 : memref<1x10000xf32, #tpu.memory_space<hbm>> -> memref<10000xf32, #tpu.memory_space<hbm>>
      %dma_start3A_18 = arith.constant 0 : i32
      %dma_start3A_19 = tpu.memref_slice %arg3[%add3A, %dma_start3A_18] : memref<32x10000xf32, #tpu.memory_space<hbm>> -> memref<1x10000xf32, #tpu.memory_space<hbm>>
      %dma_start3A_20 = tpu.memref_squeeze %dma_start3A_19 : memref<1x10000xf32, #tpu.memory_space<hbm>> -> memref<10000xf32, #tpu.memory_space<hbm>>
      tpu.enqueue_dma source(%arg5 : memref<10000xf32, #tpu.memory_space<vmem>>) target(%dma_start3A_20 : memref<10000xf32, #tpu.memory_space<hbm>>) target_semaphore(%run_scoped3A_15 : memref<!tpu.dma_semaphore, #tpu.memory_space<semaphore_mem>>)
      %dma_wait3A = arith.constant 0 : i32
      %dma_wait3A_21 = tpu.memref_slice %arg3[%add3A, %dma_wait3A] : memref<32x10000xf32, #tpu.memory_space<hbm>> -> memref<1x10000xf32, #tpu.memory_space<hbm>>
      %dma_wait3A_22 = tpu.memref_squeeze %dma_wait3A_21 : memref<1x10000xf32, #tpu.memory_space<hbm>> -> memref<10000xf32, #tpu.memory_space<hbm>>
      %dma_wait3A_23 = arith.constant 0 : i32
      %dma_wait3A_24 = tpu.memref_slice %arg3[%add3A, %dma_wait3A_23] : memref<32x10000xf32, #tpu.memory_space<hbm>> -> memref<1x10000xf32, #tpu.memory_space<hbm>>
      %dma_wait3A_25 = tpu.memref_squeeze %dma_wait3A_24 : memref<1x10000xf32, #tpu.memory_space<hbm>> -> memref<10000xf32, #tpu.memory_space<hbm>>
      tpu.wait_dma2 semaphore(%run_scoped3A_15 : memref<!tpu.dma_semaphore, #tpu.memory_space<semaphore_mem>>) src(%arg5 : memref<10000xf32, #tpu.memory_space<vmem>>) dst(%dma_wait3A_25 : memref<10000xf32, #tpu.memory_space<hbm>>)
      tpu.yield
    }) : () -> ()
    return
  }
}

#map = affine_map<(d0, d1) -> (0, 0)>
#map1 = affine_map<(d0, d1) -> (0, 0, 0)>
module attributes {stable_mosaic.version = 14 : i64} {
  func.func @_edge_aggregate_body(%arg0: i32, %arg1: i32, %arg2: memref<10000x128xbf16, #tpu.memory_space<hbm>>, %arg3: memref<2x320000xi32, #tpu.memory_space<hbm>>, %arg4: memref<2x10000x128xbf16, #tpu.memory_space<hbm>>, %arg5: memref<10000xi32, #tpu.memory_space<vmem>>, %arg6: memref<10000xi32, #tpu.memory_space<vmem>>, %arg7: memref<400x128xbf16, #tpu.memory_space<vmem>>, %arg8: memref<400x128xbf16, #tpu.memory_space<vmem>>, %arg9: memref<10000x128xbf16, #tpu.memory_space<vmem_shared>>, %arg10: memref<!tpu.dma_semaphore, #tpu.memory_space<semaphore_mem>>, %arg11: memref<!tpu.dma_semaphore, #tpu.memory_space<semaphore_mem>>) attributes {dimension_semantics = [#tpu.dimension_semantics<core_parallel>, #tpu.dimension_semantics<subcore_parallel>], iteration_bounds = array<i64: 2, 16>, scalar_prefetch = 0 : i64, scratch_operands = 7 : i64, tpu.core_type = #tpu.core_type<sc_vector_subcore>, window_params = [{transform_indices = #map}, {transform_indices = #map}, {transform_indices = #map1}]} {
    %mul3A = arith.constant 2 : i32
    %mul3A_0 = arith.muli %arg1, %mul3A : i32
    %add3A = arith.addi %mul3A_0, %arg0 : i32
    %mul3A_1 = arith.constant 10000 : i32
    %mul3A_2 = arith.muli %add3A, %mul3A_1 : i32
    %run_scoped3A = arith.constant 0 : i32
    "tpu.region"() ({
      %run_scoped3A_37 = tpu.sem_alloc : memref<!tpu.dma_semaphore, #tpu.memory_space<semaphore_mem>>
      %dma_start3A_38 = tpu.memref_slice %arg3[%run_scoped3A, %mul3A_2] : memref<2x320000xi32, #tpu.memory_space<hbm>> -> memref<1x10000xi32, #tpu.memory_space<hbm>>
      %dma_start3A_39 = tpu.memref_squeeze %dma_start3A_38 : memref<1x10000xi32, #tpu.memory_space<hbm>> -> memref<10000xi32, #tpu.memory_space<hbm>>
      %dma_start3A_40 = tpu.memref_slice %arg3[%run_scoped3A, %mul3A_2] : memref<2x320000xi32, #tpu.memory_space<hbm>> -> memref<1x10000xi32, #tpu.memory_space<hbm>>
      %dma_start3A_41 = tpu.memref_squeeze %dma_start3A_40 : memref<1x10000xi32, #tpu.memory_space<hbm>> -> memref<10000xi32, #tpu.memory_space<hbm>>
      tpu.enqueue_dma source(%dma_start3A_41 : memref<10000xi32, #tpu.memory_space<hbm>>) target(%arg5 : memref<10000xi32, #tpu.memory_space<vmem>>) target_semaphore(%run_scoped3A_37 : memref<!tpu.dma_semaphore, #tpu.memory_space<semaphore_mem>>)
      %dma_wait3A_42 = tpu.memref_slice %arg3[%run_scoped3A, %mul3A_2] : memref<2x320000xi32, #tpu.memory_space<hbm>> -> memref<1x10000xi32, #tpu.memory_space<hbm>>
      %dma_wait3A_43 = tpu.memref_squeeze %dma_wait3A_42 : memref<1x10000xi32, #tpu.memory_space<hbm>> -> memref<10000xi32, #tpu.memory_space<hbm>>
      %dma_wait3A_44 = tpu.memref_slice %arg3[%run_scoped3A, %mul3A_2] : memref<2x320000xi32, #tpu.memory_space<hbm>> -> memref<1x10000xi32, #tpu.memory_space<hbm>>
      %dma_wait3A_45 = tpu.memref_squeeze %dma_wait3A_44 : memref<1x10000xi32, #tpu.memory_space<hbm>> -> memref<10000xi32, #tpu.memory_space<hbm>>
      tpu.wait_dma2 semaphore(%run_scoped3A_37 : memref<!tpu.dma_semaphore, #tpu.memory_space<semaphore_mem>>) src(%dma_wait3A_45 : memref<10000xi32, #tpu.memory_space<hbm>>) dst(%arg5 : memref<10000xi32, #tpu.memory_space<vmem>>)
      tpu.yield
    }) : () -> ()
    %dma_start3A = arith.constant 0 : i32
    %dma_start3A_3 = tpu.memref_slice %arg5[%dma_start3A] : memref<10000xi32, #tpu.memory_space<vmem>> -> memref<400xi32, #tpu.memory_space<vmem>>
    %dma_start3A_4 = arith.constant 0 : i32
    %dma_start3A_5 = arith.constant 0 : i32
    %dma_start3A_6 = tpu.memref_slice %arg2[%dma_start3A_4, %dma_start3A_5] : memref<10000x128xbf16, #tpu.memory_space<hbm>> -> memref<10000x128xbf16, #tpu.memory_space<hbm>>
    tpu.enqueue_indirect_dma source(%dma_start3A_6 : memref<10000x128xbf16, #tpu.memory_space<hbm>>) target(%arg7 : memref<400x128xbf16, #tpu.memory_space<vmem>>) offsets(%dma_start3A_3 : memref<400xi32, #tpu.memory_space<vmem>>) semaphore(%arg10 : memref<!tpu.dma_semaphore, #tpu.memory_space<semaphore_mem>>)
    %mul3A_7 = arith.constant 10000 : i32
    %mul3A_8 = arith.muli %add3A, %mul3A_7 : i32
    %run_scoped3A_9 = arith.constant 1 : i32
    "tpu.region"() ({
      %run_scoped3A_37 = tpu.sem_alloc : memref<!tpu.dma_semaphore, #tpu.memory_space<semaphore_mem>>
      %dma_start3A_38 = tpu.memref_slice %arg3[%run_scoped3A_9, %mul3A_8] : memref<2x320000xi32, #tpu.memory_space<hbm>> -> memref<1x10000xi32, #tpu.memory_space<hbm>>
      %dma_start3A_39 = tpu.memref_squeeze %dma_start3A_38 : memref<1x10000xi32, #tpu.memory_space<hbm>> -> memref<10000xi32, #tpu.memory_space<hbm>>
      %dma_start3A_40 = tpu.memref_slice %arg3[%run_scoped3A_9, %mul3A_8] : memref<2x320000xi32, #tpu.memory_space<hbm>> -> memref<1x10000xi32, #tpu.memory_space<hbm>>
      %dma_start3A_41 = tpu.memref_squeeze %dma_start3A_40 : memref<1x10000xi32, #tpu.memory_space<hbm>> -> memref<10000xi32, #tpu.memory_space<hbm>>
      tpu.enqueue_dma source(%dma_start3A_41 : memref<10000xi32, #tpu.memory_space<hbm>>) target(%arg6 : memref<10000xi32, #tpu.memory_space<vmem>>) target_semaphore(%run_scoped3A_37 : memref<!tpu.dma_semaphore, #tpu.memory_space<semaphore_mem>>)
      %dma_wait3A_42 = tpu.memref_slice %arg3[%run_scoped3A_9, %mul3A_8] : memref<2x320000xi32, #tpu.memory_space<hbm>> -> memref<1x10000xi32, #tpu.memory_space<hbm>>
      %dma_wait3A_43 = tpu.memref_squeeze %dma_wait3A_42 : memref<1x10000xi32, #tpu.memory_space<hbm>> -> memref<10000xi32, #tpu.memory_space<hbm>>
      %dma_wait3A_44 = tpu.memref_slice %arg3[%run_scoped3A_9, %mul3A_8] : memref<2x320000xi32, #tpu.memory_space<hbm>> -> memref<1x10000xi32, #tpu.memory_space<hbm>>
      %dma_wait3A_45 = tpu.memref_squeeze %dma_wait3A_44 : memref<1x10000xi32, #tpu.memory_space<hbm>> -> memref<10000xi32, #tpu.memory_space<hbm>>
      tpu.wait_dma2 semaphore(%run_scoped3A_37 : memref<!tpu.dma_semaphore, #tpu.memory_space<semaphore_mem>>) src(%dma_wait3A_45 : memref<10000xi32, #tpu.memory_space<hbm>>) dst(%arg6 : memref<10000xi32, #tpu.memory_space<vmem>>)
      tpu.yield
    }) : () -> ()
    %broadcast_in_dim3A = arith.constant 0.000000e+00 : bf16
    %broadcast_in_dim3A_10 = vector.broadcast %broadcast_in_dim3A : bf16 to vector<32xbf16>
    %scan3A = arith.constant 0 : i32
    %scan3A_11 = arith.constant 1600 : i32
    %scan3A_12 = arith.addi %scan3A, %scan3A_11 : i32
    %scan3A_13 = arith.constant 1 : i32
    scf.for %scan3A_37 = %scan3A to %scan3A_12 step %scan3A_13  : i32 {
      %jit3A = arith.constant 4 : i32
      %div3A = arith.divsi %scan3A_37, %jit3A : i32
      %sign3A = arith.constant 0 : i32
      %sign3A_38 = arith.cmpi sgt, %scan3A_37, %sign3A : i32
      %sign3A_39 = arith.extui %sign3A_38 : i1 to i32
      %sign3A_40 = arith.constant 0 : i32
      %sign3A_41 = arith.cmpi slt, %scan3A_37, %sign3A_40 : i32
      %sign3A_42 = arith.extui %sign3A_41 : i1 to i32
      %sign3A_43 = arith.subi %sign3A_39, %sign3A_42 : i32
      %sign3A_44 = arith.constant 0 : i32
      %sign3A_45 = arith.cmpi sgt, %jit3A, %sign3A_44 : i32
      %sign3A_46 = arith.extui %sign3A_45 : i1 to i32
      %sign3A_47 = arith.constant 0 : i32
      %sign3A_48 = arith.cmpi slt, %jit3A, %sign3A_47 : i32
      %sign3A_49 = arith.extui %sign3A_48 : i1 to i32
      %sign3A_50 = arith.subi %sign3A_46, %sign3A_49 : i32
      %ne3A = arith.cmpi ne, %sign3A_43, %sign3A_50 : i32
      %rem3A = arith.remsi %scan3A_37, %jit3A : i32
      %ne3A_51 = arith.constant 0 : i32
      %ne3A_52 = arith.cmpi ne, %rem3A, %ne3A_51 : i32
      %and3A = arith.andi %ne3A, %ne3A_52 : i1
      %sub3A = arith.constant 1 : i32
      %sub3A_53 = arith.subi %div3A, %sub3A : i32
      %select_n3A = arith.select %and3A, %sub3A_53, %div3A : i32
      %jit3A_54 = arith.constant 4 : i32
      %eq3A = arith.constant 0 : i32
      %eq3A_55 = arith.cmpi eq, %jit3A_54, %eq3A : i32
      %jit3A_56 = arith.constant 1 : i32
      %select_n3A_57 = arith.select %eq3A_55, %jit3A_56, %jit3A_54 : i32
      %rem3A_58 = arith.remsi %scan3A_37, %select_n3A_57 : i32
      %ne3A_59 = arith.constant 0 : i32
      %ne3A_60 = arith.cmpi ne, %rem3A_58, %ne3A_59 : i32
      %lt3A = arith.constant 0 : i32
      %lt3A_61 = arith.cmpi slt, %rem3A_58, %lt3A : i32
      %lt3A_62 = arith.constant 0 : i32
      %lt3A_63 = arith.cmpi slt, %select_n3A_57, %lt3A_62 : i32
      %ne3A_64 = arith.xori %lt3A_61, %lt3A_63 : i1
      %and3A_65 = arith.andi %ne3A_64, %ne3A_60 : i1
      %add3A_66 = arith.addi %rem3A_58, %select_n3A_57 : i32
      %select_n3A_67 = arith.select %and3A_65, %add3A_66, %rem3A_58 : i32
      %mul3A_68 = arith.constant 32 : i32
      %mul3A_69 = arith.muli %select_n3A_67, %mul3A_68 : i32
      %swap3A = arith.index_cast %select_n3A : i32 to index
      %swap3A_70 = arith.index_cast %mul3A_69 : i32 to index
      %swap3A_71 = tpu.vector_load %arg8[%swap3A, %swap3A_70] {strides = array<i32>} : memref<400x128xbf16, #tpu.memory_space<vmem>>, vector<32xbf16>,
      tpu.vector_store %arg8[%swap3A, %swap3A_70], %broadcast_in_dim3A_10 {strides = array<i32>} : memref<400x128xbf16, #tpu.memory_space<vmem>>, vector<32xbf16>,
    }
    %scan3A_14 = arith.constant 1600 : i32
    %mul3A_15 = arith.constant 625 : i32
    %mul3A_16 = arith.muli %arg1, %mul3A_15 : i32
    %add3A_17 = arith.constant 0 : i32
    %add3A_18 = arith.addi %mul3A_16, %add3A_17 : i32
    "tpu.region"() ({
      %run_scoped3A_37 = tpu.sem_alloc : memref<!tpu.dma_semaphore, #tpu.memory_space<semaphore_mem>>
      %dma_start3A_38 = arith.constant 0 : i32
      %dma_start3A_39 = tpu.memref_slice %arg9[%add3A_18, %dma_start3A_38] : memref<10000x128xbf16, #tpu.memory_space<vmem_shared>> -> memref<400x128xbf16, #tpu.memory_space<vmem_shared>>
      %dma_start3A_40 = arith.constant 0 : i32
      %dma_start3A_41 = tpu.memref_slice %arg9[%add3A_18, %dma_start3A_40] : memref<10000x128xbf16, #tpu.memory_space<vmem_shared>> -> memref<400x128xbf16, #tpu.memory_space<vmem_shared>>
      tpu.enqueue_dma source(%arg8 : memref<400x128xbf16, #tpu.memory_space<vmem>>) target(%dma_start3A_41 : memref<400x128xbf16, #tpu.memory_space<vmem_shared>>) target_semaphore(%run_scoped3A_37 : memref<!tpu.dma_semaphore, #tpu.memory_space<semaphore_mem>>)
      %dma_wait3A_42 = arith.constant 0 : i32
      %dma_wait3A_43 = tpu.memref_slice %arg9[%add3A_18, %dma_wait3A_42] : memref<10000x128xbf16, #tpu.memory_space<vmem_shared>> -> memref<400x128xbf16, #tpu.memory_space<vmem_shared>>
      %dma_wait3A_44 = arith.constant 0 : i32
      %dma_wait3A_45 = tpu.memref_slice %arg9[%add3A_18, %dma_wait3A_44] : memref<10000x128xbf16, #tpu.memory_space<vmem_shared>> -> memref<400x128xbf16, #tpu.memory_space<vmem_shared>>
      tpu.wait_dma2 semaphore(%run_scoped3A_37 : memref<!tpu.dma_semaphore, #tpu.memory_space<semaphore_mem>>) src(%arg8 : memref<400x128xbf16, #tpu.memory_space<vmem>>) dst(%dma_wait3A_45 : memref<400x128xbf16, #tpu.memory_space<vmem_shared>>)
      tpu.yield
    }) : () -> ()
    %mul3A_19 = arith.constant 625 : i32
    %mul3A_20 = arith.muli %arg1, %mul3A_19 : i32
    %add3A_21 = arith.constant 400 : i32
    %add3A_22 = arith.addi %mul3A_20, %add3A_21 : i32
    "tpu.region"() ({
      %run_scoped3A_37 = tpu.sem_alloc : memref<!tpu.dma_semaphore, #tpu.memory_space<semaphore_mem>>
      %dma_start3A_38 = arith.constant 0 : i32
      %dma_start3A_39 = arith.constant 0 : i32
      %dma_start3A_40 = tpu.memref_slice %arg8[%dma_start3A_38, %dma_start3A_39] : memref<400x128xbf16, #tpu.memory_space<vmem>> -> memref<225x128xbf16, #tpu.memory_space<vmem>>
      %dma_start3A_41 = arith.constant 0 : i32
      %dma_start3A_42 = tpu.memref_slice %arg9[%add3A_22, %dma_start3A_41] : memref<10000x128xbf16, #tpu.memory_space<vmem_shared>> -> memref<225x128xbf16, #tpu.memory_space<vmem_shared>>
      %dma_start3A_43 = arith.constant 0 : i32
      %dma_start3A_44 = tpu.memref_slice %arg9[%add3A_22, %dma_start3A_43] : memref<10000x128xbf16, #tpu.memory_space<vmem_shared>> -> memref<225x128xbf16, #tpu.memory_space<vmem_shared>>
      %dma_start3A_45 = arith.constant 0 : i32
      %dma_start3A_46 = arith.constant 0 : i32
      %dma_start3A_47 = tpu.memref_slice %arg8[%dma_start3A_45, %dma_start3A_46] : memref<400x128xbf16, #tpu.memory_space<vmem>> -> memref<225x128xbf16, #tpu.memory_space<vmem>>
      tpu.enqueue_dma source(%dma_start3A_47 : memref<225x128xbf16, #tpu.memory_space<vmem>>) target(%dma_start3A_44 : memref<225x128xbf16, #tpu.memory_space<vmem_shared>>) target_semaphore(%run_scoped3A_37 : memref<!tpu.dma_semaphore, #tpu.memory_space<semaphore_mem>>)
      %dma_wait3A_48 = arith.constant 0 : i32
      %dma_wait3A_49 = arith.constant 0 : i32
      %dma_wait3A_50 = tpu.memref_slice %arg8[%dma_wait3A_48, %dma_wait3A_49] : memref<400x128xbf16, #tpu.memory_space<vmem>> -> memref<225x128xbf16, #tpu.memory_space<vmem>>
      %dma_wait3A_51 = arith.constant 0 : i32
      %dma_wait3A_52 = tpu.memref_slice %arg9[%add3A_22, %dma_wait3A_51] : memref<10000x128xbf16, #tpu.memory_space<vmem_shared>> -> memref<225x128xbf16, #tpu.memory_space<vmem_shared>>
      %dma_wait3A_53 = arith.constant 0 : i32
      %dma_wait3A_54 = tpu.memref_slice %arg9[%add3A_22, %dma_wait3A_53] : memref<10000x128xbf16, #tpu.memory_space<vmem_shared>> -> memref<225x128xbf16, #tpu.memory_space<vmem_shared>>
      %dma_wait3A_55 = arith.constant 0 : i32
      %dma_wait3A_56 = arith.constant 0 : i32
      %dma_wait3A_57 = tpu.memref_slice %arg8[%dma_wait3A_55, %dma_wait3A_56] : memref<400x128xbf16, #tpu.memory_space<vmem>> -> memref<225x128xbf16, #tpu.memory_space<vmem>>
      tpu.wait_dma2 semaphore(%run_scoped3A_37 : memref<!tpu.dma_semaphore, #tpu.memory_space<semaphore_mem>>) src(%dma_wait3A_57 : memref<225x128xbf16, #tpu.memory_space<vmem>>) dst(%dma_wait3A_54 : memref<225x128xbf16, #tpu.memory_space<vmem_shared>>)
      tpu.yield
    }) : () -> ()
    %barrier3A = arith.constant 0 : index
    tpu.barrier barrier_id(%barrier3A)
    %scan3A_23 = arith.constant 0 : i32
    %scan3A_24 = arith.constant 12 : i32
    %scan3A_25 = arith.addi %scan3A_23, %scan3A_24 : i32
    %scan3A_26 = arith.constant 1 : i32
    scf.for %scan3A_37 = %scan3A_23 to %scan3A_25 step %scan3A_26  : i32 {
      %mul3A_38 = arith.constant 2 : i32
      %mul3A_39 = arith.muli %scan3A_37, %mul3A_38 : i32
      %add3A_40 = arith.constant 1 : i32
      %add3A_41 = arith.addi %mul3A_39, %add3A_40 : i32
      %mul3A_42 = arith.constant 400 : i32
      %mul3A_43 = arith.muli %add3A_41, %mul3A_42 : i32
      %dma_start3A_44 = tpu.memref_slice %arg5[%mul3A_43] : memref<10000xi32, #tpu.memory_space<vmem>> -> memref<400xi32, #tpu.memory_space<vmem>>
      %dma_start3A_45 = arith.constant 0 : i32
      %dma_start3A_46 = arith.constant 0 : i32
      %dma_start3A_47 = tpu.memref_slice %arg2[%dma_start3A_45, %dma_start3A_46] : memref<10000x128xbf16, #tpu.memory_space<hbm>> -> memref<10000x128xbf16, #tpu.memory_space<hbm>>
      tpu.enqueue_indirect_dma source(%dma_start3A_47 : memref<10000x128xbf16, #tpu.memory_space<hbm>>) target(%arg8 : memref<400x128xbf16, #tpu.memory_space<vmem>>) offsets(%dma_start3A_44 : memref<400xi32, #tpu.memory_space<vmem>>) semaphore(%arg11 : memref<!tpu.dma_semaphore, #tpu.memory_space<semaphore_mem>>)
      %dma_wait3A_48 = arith.constant 0 : i32
      %dma_wait3A_49 = tpu.memref_slice %arg5[%dma_wait3A_48] : memref<10000xi32, #tpu.memory_space<vmem>> -> memref<400xi32, #tpu.memory_space<vmem>>
      %dma_wait3A_50 = arith.constant 0 : i32
      %dma_wait3A_51 = arith.constant 0 : i32
      %dma_wait3A_52 = tpu.memref_slice %arg2[%dma_wait3A_50, %dma_wait3A_51] : memref<10000x128xbf16, #tpu.memory_space<hbm>> -> memref<10000x128xbf16, #tpu.memory_space<hbm>>
      tpu.wait_indirect_dma semaphore(%arg10 : memref<!tpu.dma_semaphore, #tpu.memory_space<semaphore_mem>>) src(%dma_wait3A_52 : memref<10000x128xbf16, #tpu.memory_space<hbm>>) dst(%arg7 : memref<400x128xbf16, #tpu.memory_space<vmem>>)
      %mul3A_53 = arith.constant 400 : i32
      %mul3A_54 = arith.muli %mul3A_39, %mul3A_53 : i32
      "tpu.region"() ({
        %run_scoped3A_72 = tpu.sem_alloc : memref<!tpu.dma_semaphore, #tpu.memory_space<semaphore_mem>>
        %dma_start3A_73 = tpu.memref_slice %arg6[%mul3A_54] : memref<10000xi32, #tpu.memory_space<vmem>> -> memref<400xi32, #tpu.memory_space<vmem>>
        %dma_start3A_74 = arith.constant 0 : i32
        %dma_start3A_75 = arith.constant 0 : i32
        %dma_start3A_76 = tpu.memref_slice %arg9[%dma_start3A_74, %dma_start3A_75] : memref<10000x128xbf16, #tpu.memory_space<vmem_shared>> -> memref<10000x128xbf16, #tpu.memory_space<vmem_shared>>
        tpu.enqueue_indirect_dma source(%arg7 : memref<400x128xbf16, #tpu.memory_space<vmem>>) target(%dma_start3A_76 : memref<10000x128xbf16, #tpu.memory_space<vmem_shared>>) offsets(%dma_start3A_73 : memref<400xi32, #tpu.memory_space<vmem>>) semaphore(%run_scoped3A_72 : memref<!tpu.dma_semaphore, #tpu.memory_space<semaphore_mem>>) {add = true}
        %dma_wait3A_77 = tpu.memref_slice %arg6[%mul3A_54] : memref<10000xi32, #tpu.memory_space<vmem>> -> memref<400xi32, #tpu.memory_space<vmem>>
        %dma_wait3A_78 = arith.constant 0 : i32
        %dma_wait3A_79 = arith.constant 0 : i32
        %dma_wait3A_80 = tpu.memref_slice %arg9[%dma_wait3A_78, %dma_wait3A_79] : memref<10000x128xbf16, #tpu.memory_space<vmem_shared>> -> memref<10000x128xbf16, #tpu.memory_space<vmem_shared>>
        tpu.wait_indirect_dma semaphore(%run_scoped3A_72 : memref<!tpu.dma_semaphore, #tpu.memory_space<semaphore_mem>>) src(%arg7 : memref<400x128xbf16, #tpu.memory_space<vmem>>) dst(%dma_wait3A_80 : memref<10000x128xbf16, #tpu.memory_space<vmem_shared>>)
        tpu.yield
      }) : () -> ()
      %add3A_55 = arith.constant 2 : i32
      %add3A_56 = arith.addi %mul3A_39, %add3A_55 : i32
      %mul3A_57 = arith.constant 400 : i32
      %mul3A_58 = arith.muli %add3A_56, %mul3A_57 : i32
      %dma_start3A_59 = tpu.memref_slice %arg5[%mul3A_58] : memref<10000xi32, #tpu.memory_space<vmem>> -> memref<400xi32, #tpu.memory_space<vmem>>
      %dma_start3A_60 = arith.constant 0 : i32
      %dma_start3A_61 = arith.constant 0 : i32
      %dma_start3A_62 = tpu.memref_slice %arg2[%dma_start3A_60, %dma_start3A_61] : memref<10000x128xbf16, #tpu.memory_space<hbm>> -> memref<10000x128xbf16, #tpu.memory_space<hbm>>
      tpu.enqueue_indirect_dma source(%dma_start3A_62 : memref<10000x128xbf16, #tpu.memory_space<hbm>>) target(%arg7 : memref<400x128xbf16, #tpu.memory_space<vmem>>) offsets(%dma_start3A_59 : memref<400xi32, #tpu.memory_space<vmem>>) semaphore(%arg10 : memref<!tpu.dma_semaphore, #tpu.memory_space<semaphore_mem>>)
      %dma_wait3A_63 = arith.constant 0 : i32
      %dma_wait3A_64 = tpu.memref_slice %arg5[%dma_wait3A_63] : memref<10000xi32, #tpu.memory_space<vmem>> -> memref<400xi32, #tpu.memory_space<vmem>>
      %dma_wait3A_65 = arith.constant 0 : i32
      %dma_wait3A_66 = arith.constant 0 : i32
      %dma_wait3A_67 = tpu.memref_slice %arg2[%dma_wait3A_65, %dma_wait3A_66] : memref<10000x128xbf16, #tpu.memory_space<hbm>> -> memref<10000x128xbf16, #tpu.memory_space<hbm>>
      tpu.wait_indirect_dma semaphore(%arg11 : memref<!tpu.dma_semaphore, #tpu.memory_space<semaphore_mem>>) src(%dma_wait3A_67 : memref<10000x128xbf16, #tpu.memory_space<hbm>>) dst(%arg8 : memref<400x128xbf16, #tpu.memory_space<vmem>>)
      %add3A_68 = arith.constant 1 : i32
      %add3A_69 = arith.addi %mul3A_39, %add3A_68 : i32
      %mul3A_70 = arith.constant 400 : i32
      %mul3A_71 = arith.muli %add3A_69, %mul3A_70 : i32
      "tpu.region"() ({
        %run_scoped3A_72 = tpu.sem_alloc : memref<!tpu.dma_semaphore, #tpu.memory_space<semaphore_mem>>
        %dma_start3A_73 = tpu.memref_slice %arg6[%mul3A_71] : memref<10000xi32, #tpu.memory_space<vmem>> -> memref<400xi32, #tpu.memory_space<vmem>>
        %dma_start3A_74 = arith.constant 0 : i32
        %dma_start3A_75 = arith.constant 0 : i32
        %dma_start3A_76 = tpu.memref_slice %arg9[%dma_start3A_74, %dma_start3A_75] : memref<10000x128xbf16, #tpu.memory_space<vmem_shared>> -> memref<10000x128xbf16, #tpu.memory_space<vmem_shared>>
        tpu.enqueue_indirect_dma source(%arg8 : memref<400x128xbf16, #tpu.memory_space<vmem>>) target(%dma_start3A_76 : memref<10000x128xbf16, #tpu.memory_space<vmem_shared>>) offsets(%dma_start3A_73 : memref<400xi32, #tpu.memory_space<vmem>>) semaphore(%run_scoped3A_72 : memref<!tpu.dma_semaphore, #tpu.memory_space<semaphore_mem>>) {add = true}
        %dma_wait3A_77 = tpu.memref_slice %arg6[%mul3A_71] : memref<10000xi32, #tpu.memory_space<vmem>> -> memref<400xi32, #tpu.memory_space<vmem>>
        %dma_wait3A_78 = arith.constant 0 : i32
        %dma_wait3A_79 = arith.constant 0 : i32
        %dma_wait3A_80 = tpu.memref_slice %arg9[%dma_wait3A_78, %dma_wait3A_79] : memref<10000x128xbf16, #tpu.memory_space<vmem_shared>> -> memref<10000x128xbf16, #tpu.memory_space<vmem_shared>>
        tpu.wait_indirect_dma semaphore(%run_scoped3A_72 : memref<!tpu.dma_semaphore, #tpu.memory_space<semaphore_mem>>) src(%arg8 : memref<400x128xbf16, #tpu.memory_space<vmem>>) dst(%dma_wait3A_80 : memref<10000x128xbf16, #tpu.memory_space<vmem_shared>>)
        tpu.yield
      }) : () -> ()
    }
    %scan3A_27 = arith.constant 12 : i32
    %dma_wait3A = arith.constant 0 : i32
    %dma_wait3A_28 = tpu.memref_slice %arg5[%dma_wait3A] : memref<10000xi32, #tpu.memory_space<vmem>> -> memref<400xi32, #tpu.memory_space<vmem>>
    %dma_wait3A_29 = arith.constant 0 : i32
    %dma_wait3A_30 = arith.constant 0 : i32
    %dma_wait3A_31 = tpu.memref_slice %arg2[%dma_wait3A_29, %dma_wait3A_30] : memref<10000x128xbf16, #tpu.memory_space<hbm>> -> memref<10000x128xbf16, #tpu.memory_space<hbm>>
    tpu.wait_indirect_dma semaphore(%arg10 : memref<!tpu.dma_semaphore, #tpu.memory_space<semaphore_mem>>) src(%dma_wait3A_31 : memref<10000x128xbf16, #tpu.memory_space<hbm>>) dst(%arg7 : memref<400x128xbf16, #tpu.memory_space<vmem>>)
    "tpu.region"() ({
      %run_scoped3A_37 = tpu.sem_alloc : memref<!tpu.dma_semaphore, #tpu.memory_space<semaphore_mem>>
      %dma_start3A_38 = arith.constant 9600 : i32
      %dma_start3A_39 = tpu.memref_slice %arg6[%dma_start3A_38] : memref<10000xi32, #tpu.memory_space<vmem>> -> memref<400xi32, #tpu.memory_space<vmem>>
      %dma_start3A_40 = arith.constant 0 : i32
      %dma_start3A_41 = arith.constant 0 : i32
      %dma_start3A_42 = tpu.memref_slice %arg9[%dma_start3A_40, %dma_start3A_41] : memref<10000x128xbf16, #tpu.memory_space<vmem_shared>> -> memref<10000x128xbf16, #tpu.memory_space<vmem_shared>>
      tpu.enqueue_indirect_dma source(%arg7 : memref<400x128xbf16, #tpu.memory_space<vmem>>) target(%dma_start3A_42 : memref<10000x128xbf16, #tpu.memory_space<vmem_shared>>) offsets(%dma_start3A_39 : memref<400xi32, #tpu.memory_space<vmem>>) semaphore(%run_scoped3A_37 : memref<!tpu.dma_semaphore, #tpu.memory_space<semaphore_mem>>) {add = true}
      %dma_wait3A_43 = arith.constant 9600 : i32
      %dma_wait3A_44 = tpu.memref_slice %arg6[%dma_wait3A_43] : memref<10000xi32, #tpu.memory_space<vmem>> -> memref<400xi32, #tpu.memory_space<vmem>>
      %dma_wait3A_45 = arith.constant 0 : i32
      %dma_wait3A_46 = arith.constant 0 : i32
      %dma_wait3A_47 = tpu.memref_slice %arg9[%dma_wait3A_45, %dma_wait3A_46] : memref<10000x128xbf16, #tpu.memory_space<vmem_shared>> -> memref<10000x128xbf16, #tpu.memory_space<vmem_shared>>
      tpu.wait_indirect_dma semaphore(%run_scoped3A_37 : memref<!tpu.dma_semaphore, #tpu.memory_space<semaphore_mem>>) src(%arg7 : memref<400x128xbf16, #tpu.memory_space<vmem>>) dst(%dma_wait3A_47 : memref<10000x128xbf16, #tpu.memory_space<vmem_shared>>)
      tpu.yield
    }) : () -> ()
    %barrier3A_32 = arith.constant 0 : index
    tpu.barrier barrier_id(%barrier3A_32)
    %mul3A_33 = arith.constant 625 : i32
    %mul3A_34 = arith.muli %arg1, %mul3A_33 : i32
    %mul3A_35 = arith.constant 625 : i32
    %mul3A_36 = arith.muli %arg1, %mul3A_35 : i32
    "tpu.region"() ({
      %run_scoped3A_37 = tpu.sem_alloc : memref<!tpu.dma_semaphore, #tpu.memory_space<semaphore_mem>>
      %dma_start3A_38 = arith.constant 0 : i32
      %dma_start3A_39 = tpu.memref_slice %arg4[%arg0, %mul3A_36, %dma_start3A_38] : memref<2x10000x128xbf16, #tpu.memory_space<hbm>> -> memref<1x625x128xbf16, #tpu.memory_space<hbm>>
      %dma_start3A_40 = tpu.memref_squeeze %dma_start3A_39 : memref<1x625x128xbf16, #tpu.memory_space<hbm>> -> memref<625x128xbf16, #tpu.memory_space<hbm>>
      %dma_start3A_41 = arith.constant 0 : i32
      %dma_start3A_42 = tpu.memref_slice %arg9[%mul3A_34, %dma_start3A_41] : memref<10000x128xbf16, #tpu.memory_space<vmem_shared>> -> memref<625x128xbf16, #tpu.memory_space<vmem_shared>>
      tpu.enqueue_dma source(%dma_start3A_42 : memref<625x128xbf16, #tpu.memory_space<vmem_shared>>) target(%dma_start3A_40 : memref<625x128xbf16, #tpu.memory_space<hbm>>) target_semaphore(%run_scoped3A_37 : memref<!tpu.dma_semaphore, #tpu.memory_space<semaphore_mem>>)
      %dma_wait3A_43 = arith.constant 0 : i32
      %dma_wait3A_44 = tpu.memref_slice %arg4[%arg0, %mul3A_36, %dma_wait3A_43] : memref<2x10000x128xbf16, #tpu.memory_space<hbm>> -> memref<1x625x128xbf16, #tpu.memory_space<hbm>>
      %dma_wait3A_45 = tpu.memref_squeeze %dma_wait3A_44 : memref<1x625x128xbf16, #tpu.memory_space<hbm>> -> memref<625x128xbf16, #tpu.memory_space<hbm>>
      %dma_wait3A_46 = arith.constant 0 : i32
      %dma_wait3A_47 = tpu.memref_slice %arg9[%mul3A_34, %dma_wait3A_46] : memref<10000x128xbf16, #tpu.memory_space<vmem_shared>> -> memref<625x128xbf16, #tpu.memory_space<vmem_shared>>
      tpu.wait_dma2 semaphore(%run_scoped3A_37 : memref<!tpu.dma_semaphore, #tpu.memory_space<semaphore_mem>>) src(%dma_wait3A_47 : memref<625x128xbf16, #tpu.memory_space<vmem_shared>>) dst(%dma_wait3A_45 : memref<625x128xbf16, #tpu.memory_space<hbm>>)
      tpu.yield
    }) : () -> ()
    return
  }
}

#map = affine_map<(d0, d1) -> (0, 0)>
#map1 = affine_map<(d0, d1) -> (0, 0, 0)>
module attributes {stable_mosaic.version = 14 : i64} {
  func.func @_edge_aggregate_body(%arg0: i32, %arg1: i32, %arg2: memref<10000x128xbf16, #tpu.memory_space<hbm>>, %arg3: memref<2x320000xi32, #tpu.memory_space<hbm>>, %arg4: memref<2x10000x128xbf16, #tpu.memory_space<hbm>>, %arg5: memref<10000xi32, #tpu.memory_space<vmem>>, %arg6: memref<10000xi32, #tpu.memory_space<vmem>>, %arg7: memref<400x128xbf16, #tpu.memory_space<vmem>>, %arg8: memref<400x128xbf16, #tpu.memory_space<vmem>>, %arg9: memref<10000x128xbf16, #tpu.memory_space<vmem_shared>>, %arg10: memref<!tpu.dma_semaphore, #tpu.memory_space<semaphore_mem>>, %arg11: memref<!tpu.dma_semaphore, #tpu.memory_space<semaphore_mem>>) attributes {dimension_semantics = [#tpu.dimension_semantics<core_parallel>, #tpu.dimension_semantics<subcore_parallel>], iteration_bounds = array<i64: 2, 16>, scalar_prefetch = 0 : i64, scratch_operands = 7 : i64, tpu.core_type = #tpu.core_type<sc_vector_subcore>, window_params = [{transform_indices = #map}, {transform_indices = #map}, {transform_indices = #map1}]} {
    %mul3A = arith.constant 2 : i32
    %mul3A_0 = arith.muli %arg1, %mul3A : i32
    %add3A = arith.addi %mul3A_0, %arg0 : i32
    %mul3A_1 = arith.constant 10000 : i32
    %mul3A_2 = arith.muli %add3A, %mul3A_1 : i32
    %run_scoped3A = arith.constant 0 : i32
    "tpu.region"() ({
      %run_scoped3A_37 = tpu.sem_alloc : memref<!tpu.dma_semaphore, #tpu.memory_space<semaphore_mem>>
      %dma_start3A_38 = tpu.memref_slice %arg3[%run_scoped3A, %mul3A_2] : memref<2x320000xi32, #tpu.memory_space<hbm>> -> memref<1x10000xi32, #tpu.memory_space<hbm>>
      %dma_start3A_39 = tpu.memref_squeeze %dma_start3A_38 : memref<1x10000xi32, #tpu.memory_space<hbm>> -> memref<10000xi32, #tpu.memory_space<hbm>>
      %dma_start3A_40 = tpu.memref_slice %arg3[%run_scoped3A, %mul3A_2] : memref<2x320000xi32, #tpu.memory_space<hbm>> -> memref<1x10000xi32, #tpu.memory_space<hbm>>
      %dma_start3A_41 = tpu.memref_squeeze %dma_start3A_40 : memref<1x10000xi32, #tpu.memory_space<hbm>> -> memref<10000xi32, #tpu.memory_space<hbm>>
      tpu.enqueue_dma source(%dma_start3A_41 : memref<10000xi32, #tpu.memory_space<hbm>>) target(%arg5 : memref<10000xi32, #tpu.memory_space<vmem>>) target_semaphore(%run_scoped3A_37 : memref<!tpu.dma_semaphore, #tpu.memory_space<semaphore_mem>>)
      %dma_wait3A_42 = tpu.memref_slice %arg3[%run_scoped3A, %mul3A_2] : memref<2x320000xi32, #tpu.memory_space<hbm>> -> memref<1x10000xi32, #tpu.memory_space<hbm>>
      %dma_wait3A_43 = tpu.memref_squeeze %dma_wait3A_42 : memref<1x10000xi32, #tpu.memory_space<hbm>> -> memref<10000xi32, #tpu.memory_space<hbm>>
      %dma_wait3A_44 = tpu.memref_slice %arg3[%run_scoped3A, %mul3A_2] : memref<2x320000xi32, #tpu.memory_space<hbm>> -> memref<1x10000xi32, #tpu.memory_space<hbm>>
      %dma_wait3A_45 = tpu.memref_squeeze %dma_wait3A_44 : memref<1x10000xi32, #tpu.memory_space<hbm>> -> memref<10000xi32, #tpu.memory_space<hbm>>
      tpu.wait_dma2 semaphore(%run_scoped3A_37 : memref<!tpu.dma_semaphore, #tpu.memory_space<semaphore_mem>>) src(%dma_wait3A_45 : memref<10000xi32, #tpu.memory_space<hbm>>) dst(%arg5 : memref<10000xi32, #tpu.memory_space<vmem>>)
      tpu.yield
    }) : () -> ()
    %dma_start3A = arith.constant 0 : i32
    %dma_start3A_3 = tpu.memref_slice %arg5[%dma_start3A] : memref<10000xi32, #tpu.memory_space<vmem>> -> memref<400xi32, #tpu.memory_space<vmem>>
    %dma_start3A_4 = arith.constant 0 : i32
    %dma_start3A_5 = arith.constant 0 : i32
    %dma_start3A_6 = tpu.memref_slice %arg2[%dma_start3A_4, %dma_start3A_5] : memref<10000x128xbf16, #tpu.memory_space<hbm>> -> memref<10000x128xbf16, #tpu.memory_space<hbm>>
    tpu.enqueue_indirect_dma source(%dma_start3A_6 : memref<10000x128xbf16, #tpu.memory_space<hbm>>) target(%arg7 : memref<400x128xbf16, #tpu.memory_space<vmem>>) offsets(%dma_start3A_3 : memref<400xi32, #tpu.memory_space<vmem>>) semaphore(%arg10 : memref<!tpu.dma_semaphore, #tpu.memory_space<semaphore_mem>>)
    %mul3A_7 = arith.constant 10000 : i32
    %mul3A_8 = arith.muli %add3A, %mul3A_7 : i32
    %run_scoped3A_9 = arith.constant 1 : i32
    "tpu.region"() ({
      %run_scoped3A_37 = tpu.sem_alloc : memref<!tpu.dma_semaphore, #tpu.memory_space<semaphore_mem>>
      %dma_start3A_38 = tpu.memref_slice %arg3[%run_scoped3A_9, %mul3A_8] : memref<2x320000xi32, #tpu.memory_space<hbm>> -> memref<1x10000xi32, #tpu.memory_space<hbm>>
      %dma_start3A_39 = tpu.memref_squeeze %dma_start3A_38 : memref<1x10000xi32, #tpu.memory_space<hbm>> -> memref<10000xi32, #tpu.memory_space<hbm>>
      %dma_start3A_40 = tpu.memref_slice %arg3[%run_scoped3A_9, %mul3A_8] : memref<2x320000xi32, #tpu.memory_space<hbm>> -> memref<1x10000xi32, #tpu.memory_space<hbm>>
      %dma_start3A_41 = tpu.memref_squeeze %dma_start3A_40 : memref<1x10000xi32, #tpu.memory_space<hbm>> -> memref<10000xi32, #tpu.memory_space<hbm>>
      tpu.enqueue_dma source(%dma_start3A_41 : memref<10000xi32, #tpu.memory_space<hbm>>) target(%arg6 : memref<10000xi32, #tpu.memory_space<vmem>>) target_semaphore(%run_scoped3A_37 : memref<!tpu.dma_semaphore, #tpu.memory_space<semaphore_mem>>)
      %dma_wait3A_42 = tpu.memref_slice %arg3[%run_scoped3A_9, %mul3A_8] : memref<2x320000xi32, #tpu.memory_space<hbm>> -> memref<1x10000xi32, #tpu.memory_space<hbm>>
      %dma_wait3A_43 = tpu.memref_squeeze %dma_wait3A_42 : memref<1x10000xi32, #tpu.memory_space<hbm>> -> memref<10000xi32, #tpu.memory_space<hbm>>
      %dma_wait3A_44 = tpu.memref_slice %arg3[%run_scoped3A_9, %mul3A_8] : memref<2x320000xi32, #tpu.memory_space<hbm>> -> memref<1x10000xi32, #tpu.memory_space<hbm>>
      %dma_wait3A_45 = tpu.memref_squeeze %dma_wait3A_44 : memref<1x10000xi32, #tpu.memory_space<hbm>> -> memref<10000xi32, #tpu.memory_space<hbm>>
      tpu.wait_dma2 semaphore(%run_scoped3A_37 : memref<!tpu.dma_semaphore, #tpu.memory_space<semaphore_mem>>) src(%dma_wait3A_45 : memref<10000xi32, #tpu.memory_space<hbm>>) dst(%arg6 : memref<10000xi32, #tpu.memory_space<vmem>>)
      tpu.yield
    }) : () -> ()
    %broadcast_in_dim3A = arith.constant 0.000000e+00 : bf16
    %broadcast_in_dim3A_10 = vector.broadcast %broadcast_in_dim3A : bf16 to vector<32xbf16>
    %scan3A = arith.constant 0 : i32
    %scan3A_11 = arith.constant 1600 : i32
    %scan3A_12 = arith.addi %scan3A, %scan3A_11 : i32
    %scan3A_13 = arith.constant 1 : i32
    scf.for %scan3A_37 = %scan3A to %scan3A_12 step %scan3A_13  : i32 {
      %jit3A = arith.constant 4 : i32
      %div3A = arith.divsi %scan3A_37, %jit3A : i32
      %sign3A = arith.constant 0 : i32
      %sign3A_38 = arith.cmpi sgt, %scan3A_37, %sign3A : i32
      %sign3A_39 = arith.extui %sign3A_38 : i1 to i32
      %sign3A_40 = arith.constant 0 : i32
      %sign3A_41 = arith.cmpi slt, %scan3A_37, %sign3A_40 : i32
      %sign3A_42 = arith.extui %sign3A_41 : i1 to i32
      %sign3A_43 = arith.subi %sign3A_39, %sign3A_42 : i32
      %sign3A_44 = arith.constant 0 : i32
      %sign3A_45 = arith.cmpi sgt, %jit3A, %sign3A_44 : i32
      %sign3A_46 = arith.extui %sign3A_45 : i1 to i32
      %sign3A_47 = arith.constant 0 : i32
      %sign3A_48 = arith.cmpi slt, %jit3A, %sign3A_47 : i32
      %sign3A_49 = arith.extui %sign3A_48 : i1 to i32
      %sign3A_50 = arith.subi %sign3A_46, %sign3A_49 : i32
      %ne3A = arith.cmpi ne, %sign3A_43, %sign3A_50 : i32
      %rem3A = arith.remsi %scan3A_37, %jit3A : i32
      %ne3A_51 = arith.constant 0 : i32
      %ne3A_52 = arith.cmpi ne, %rem3A, %ne3A_51 : i32
      %and3A = arith.andi %ne3A, %ne3A_52 : i1
      %sub3A = arith.constant 1 : i32
      %sub3A_53 = arith.subi %div3A, %sub3A : i32
      %select_n3A = arith.select %and3A, %sub3A_53, %div3A : i32
      %jit3A_54 = arith.constant 4 : i32
      %eq3A = arith.constant 0 : i32
      %eq3A_55 = arith.cmpi eq, %jit3A_54, %eq3A : i32
      %jit3A_56 = arith.constant 1 : i32
      %select_n3A_57 = arith.select %eq3A_55, %jit3A_56, %jit3A_54 : i32
      %rem3A_58 = arith.remsi %scan3A_37, %select_n3A_57 : i32
      %ne3A_59 = arith.constant 0 : i32
      %ne3A_60 = arith.cmpi ne, %rem3A_58, %ne3A_59 : i32
      %lt3A = arith.constant 0 : i32
      %lt3A_61 = arith.cmpi slt, %rem3A_58, %lt3A : i32
      %lt3A_62 = arith.constant 0 : i32
      %lt3A_63 = arith.cmpi slt, %select_n3A_57, %lt3A_62 : i32
      %ne3A_64 = arith.xori %lt3A_61, %lt3A_63 : i1
      %and3A_65 = arith.andi %ne3A_64, %ne3A_60 : i1
      %add3A_66 = arith.addi %rem3A_58, %select_n3A_57 : i32
      %select_n3A_67 = arith.select %and3A_65, %add3A_66, %rem3A_58 : i32
      %mul3A_68 = arith.constant 32 : i32
      %mul3A_69 = arith.muli %select_n3A_67, %mul3A_68 : i32
      %swap3A = arith.index_cast %select_n3A : i32 to index
      %swap3A_70 = arith.index_cast %mul3A_69 : i32 to index
      %swap3A_71 = tpu.vector_load %arg8[%swap3A, %swap3A_70] {strides = array<i32>} : memref<400x128xbf16, #tpu.memory_space<vmem>>, vector<32xbf16>,
      tpu.vector_store %arg8[%swap3A, %swap3A_70], %broadcast_in_dim3A_10 {strides = array<i32>} : memref<400x128xbf16, #tpu.memory_space<vmem>>, vector<32xbf16>,
    }
    %scan3A_14 = arith.constant 1600 : i32
    %mul3A_15 = arith.constant 625 : i32
    %mul3A_16 = arith.muli %arg1, %mul3A_15 : i32
    %add3A_17 = arith.constant 0 : i32
    %add3A_18 = arith.addi %mul3A_16, %add3A_17 : i32
    "tpu.region"() ({
      %run_scoped3A_37 = tpu.sem_alloc : memref<!tpu.dma_semaphore, #tpu.memory_space<semaphore_mem>>
      %dma_start3A_38 = arith.constant 0 : i32
      %dma_start3A_39 = tpu.memref_slice %arg9[%add3A_18, %dma_start3A_38] : memref<10000x128xbf16, #tpu.memory_space<vmem_shared>> -> memref<400x128xbf16, #tpu.memory_space<vmem_shared>>
      %dma_start3A_40 = arith.constant 0 : i32
      %dma_start3A_41 = tpu.memref_slice %arg9[%add3A_18, %dma_start3A_40] : memref<10000x128xbf16, #tpu.memory_space<vmem_shared>> -> memref<400x128xbf16, #tpu.memory_space<vmem_shared>>
      tpu.enqueue_dma source(%arg8 : memref<400x128xbf16, #tpu.memory_space<vmem>>) target(%dma_start3A_41 : memref<400x128xbf16, #tpu.memory_space<vmem_shared>>) target_semaphore(%run_scoped3A_37 : memref<!tpu.dma_semaphore, #tpu.memory_space<semaphore_mem>>)
      %dma_wait3A_42 = arith.constant 0 : i32
      %dma_wait3A_43 = tpu.memref_slice %arg9[%add3A_18, %dma_wait3A_42] : memref<10000x128xbf16, #tpu.memory_space<vmem_shared>> -> memref<400x128xbf16, #tpu.memory_space<vmem_shared>>
      %dma_wait3A_44 = arith.constant 0 : i32
      %dma_wait3A_45 = tpu.memref_slice %arg9[%add3A_18, %dma_wait3A_44] : memref<10000x128xbf16, #tpu.memory_space<vmem_shared>> -> memref<400x128xbf16, #tpu.memory_space<vmem_shared>>
      tpu.wait_dma2 semaphore(%run_scoped3A_37 : memref<!tpu.dma_semaphore, #tpu.memory_space<semaphore_mem>>) src(%arg8 : memref<400x128xbf16, #tpu.memory_space<vmem>>) dst(%dma_wait3A_45 : memref<400x128xbf16, #tpu.memory_space<vmem_shared>>)
      tpu.yield
    }) : () -> ()
    %mul3A_19 = arith.constant 625 : i32
    %mul3A_20 = arith.muli %arg1, %mul3A_19 : i32
    %add3A_21 = arith.constant 400 : i32
    %add3A_22 = arith.addi %mul3A_20, %add3A_21 : i32
    "tpu.region"() ({
      %run_scoped3A_37 = tpu.sem_alloc : memref<!tpu.dma_semaphore, #tpu.memory_space<semaphore_mem>>
      %dma_start3A_38 = arith.constant 0 : i32
      %dma_start3A_39 = arith.constant 0 : i32
      %dma_start3A_40 = tpu.memref_slice %arg8[%dma_start3A_38, %dma_start3A_39] : memref<400x128xbf16, #tpu.memory_space<vmem>> -> memref<225x128xbf16, #tpu.memory_space<vmem>>
      %dma_start3A_41 = arith.constant 0 : i32
      %dma_start3A_42 = tpu.memref_slice %arg9[%add3A_22, %dma_start3A_41] : memref<10000x128xbf16, #tpu.memory_space<vmem_shared>> -> memref<225x128xbf16, #tpu.memory_space<vmem_shared>>
      %dma_start3A_43 = arith.constant 0 : i32
      %dma_start3A_44 = tpu.memref_slice %arg9[%add3A_22, %dma_start3A_43] : memref<10000x128xbf16, #tpu.memory_space<vmem_shared>> -> memref<225x128xbf16, #tpu.memory_space<vmem_shared>>
      %dma_start3A_45 = arith.constant 0 : i32
      %dma_start3A_46 = arith.constant 0 : i32
      %dma_start3A_47 = tpu.memref_slice %arg8[%dma_start3A_45, %dma_start3A_46] : memref<400x128xbf16, #tpu.memory_space<vmem>> -> memref<225x128xbf16, #tpu.memory_space<vmem>>
      tpu.enqueue_dma source(%dma_start3A_47 : memref<225x128xbf16, #tpu.memory_space<vmem>>) target(%dma_start3A_44 : memref<225x128xbf16, #tpu.memory_space<vmem_shared>>) target_semaphore(%run_scoped3A_37 : memref<!tpu.dma_semaphore, #tpu.memory_space<semaphore_mem>>)
      %dma_wait3A_48 = arith.constant 0 : i32
      %dma_wait3A_49 = arith.constant 0 : i32
      %dma_wait3A_50 = tpu.memref_slice %arg8[%dma_wait3A_48, %dma_wait3A_49] : memref<400x128xbf16, #tpu.memory_space<vmem>> -> memref<225x128xbf16, #tpu.memory_space<vmem>>
      %dma_wait3A_51 = arith.constant 0 : i32
      %dma_wait3A_52 = tpu.memref_slice %arg9[%add3A_22, %dma_wait3A_51] : memref<10000x128xbf16, #tpu.memory_space<vmem_shared>> -> memref<225x128xbf16, #tpu.memory_space<vmem_shared>>
      %dma_wait3A_53 = arith.constant 0 : i32
      %dma_wait3A_54 = tpu.memref_slice %arg9[%add3A_22, %dma_wait3A_53] : memref<10000x128xbf16, #tpu.memory_space<vmem_shared>> -> memref<225x128xbf16, #tpu.memory_space<vmem_shared>>
      %dma_wait3A_55 = arith.constant 0 : i32
      %dma_wait3A_56 = arith.constant 0 : i32
      %dma_wait3A_57 = tpu.memref_slice %arg8[%dma_wait3A_55, %dma_wait3A_56] : memref<400x128xbf16, #tpu.memory_space<vmem>> -> memref<225x128xbf16, #tpu.memory_space<vmem>>
      tpu.wait_dma2 semaphore(%run_scoped3A_37 : memref<!tpu.dma_semaphore, #tpu.memory_space<semaphore_mem>>) src(%dma_wait3A_57 : memref<225x128xbf16, #tpu.memory_space<vmem>>) dst(%dma_wait3A_54 : memref<225x128xbf16, #tpu.memory_space<vmem_shared>>)
      tpu.yield
    }) : () -> ()
    %barrier3A = arith.constant 0 : index
    tpu.barrier barrier_id(%barrier3A)
    %scan3A_23 = arith.constant 0 : i32
    %scan3A_24 = arith.constant 12 : i32
    %scan3A_25 = arith.addi %scan3A_23, %scan3A_24 : i32
    %scan3A_26 = arith.constant 1 : i32
    scf.for %scan3A_37 = %scan3A_23 to %scan3A_25 step %scan3A_26  : i32 {
      %mul3A_38 = arith.constant 2 : i32
      %mul3A_39 = arith.muli %scan3A_37, %mul3A_38 : i32
      %add3A_40 = arith.constant 1 : i32
      %add3A_41 = arith.addi %mul3A_39, %add3A_40 : i32
      %mul3A_42 = arith.constant 400 : i32
      %mul3A_43 = arith.muli %add3A_41, %mul3A_42 : i32
      %dma_start3A_44 = tpu.memref_slice %arg5[%mul3A_43] : memref<10000xi32, #tpu.memory_space<vmem>> -> memref<400xi32, #tpu.memory_space<vmem>>
      %dma_start3A_45 = arith.constant 0 : i32
      %dma_start3A_46 = arith.constant 0 : i32
      %dma_start3A_47 = tpu.memref_slice %arg2[%dma_start3A_45, %dma_start3A_46] : memref<10000x128xbf16, #tpu.memory_space<hbm>> -> memref<10000x128xbf16, #tpu.memory_space<hbm>>
      tpu.enqueue_indirect_dma source(%dma_start3A_47 : memref<10000x128xbf16, #tpu.memory_space<hbm>>) target(%arg8 : memref<400x128xbf16, #tpu.memory_space<vmem>>) offsets(%dma_start3A_44 : memref<400xi32, #tpu.memory_space<vmem>>) semaphore(%arg11 : memref<!tpu.dma_semaphore, #tpu.memory_space<semaphore_mem>>)
      %dma_wait3A_48 = arith.constant 0 : i32
      %dma_wait3A_49 = tpu.memref_slice %arg5[%dma_wait3A_48] : memref<10000xi32, #tpu.memory_space<vmem>> -> memref<400xi32, #tpu.memory_space<vmem>>
      %dma_wait3A_50 = arith.constant 0 : i32
      %dma_wait3A_51 = arith.constant 0 : i32
      %dma_wait3A_52 = tpu.memref_slice %arg2[%dma_wait3A_50, %dma_wait3A_51] : memref<10000x128xbf16, #tpu.memory_space<hbm>> -> memref<10000x128xbf16, #tpu.memory_space<hbm>>
      tpu.wait_indirect_dma semaphore(%arg10 : memref<!tpu.dma_semaphore, #tpu.memory_space<semaphore_mem>>) src(%dma_wait3A_52 : memref<10000x128xbf16, #tpu.memory_space<hbm>>) dst(%arg7 : memref<400x128xbf16, #tpu.memory_space<vmem>>)
      %mul3A_53 = arith.constant 400 : i32
      %mul3A_54 = arith.muli %mul3A_39, %mul3A_53 : i32
      "tpu.region"() ({
        %run_scoped3A_72 = tpu.sem_alloc : memref<!tpu.dma_semaphore, #tpu.memory_space<semaphore_mem>>
        %dma_start3A_73 = tpu.memref_slice %arg6[%mul3A_54] : memref<10000xi32, #tpu.memory_space<vmem>> -> memref<400xi32, #tpu.memory_space<vmem>>
        %dma_start3A_74 = arith.constant 0 : i32
        %dma_start3A_75 = arith.constant 0 : i32
        %dma_start3A_76 = tpu.memref_slice %arg9[%dma_start3A_74, %dma_start3A_75] : memref<10000x128xbf16, #tpu.memory_space<vmem_shared>> -> memref<10000x128xbf16, #tpu.memory_space<vmem_shared>>
        tpu.enqueue_indirect_dma source(%arg7 : memref<400x128xbf16, #tpu.memory_space<vmem>>) target(%dma_start3A_76 : memref<10000x128xbf16, #tpu.memory_space<vmem_shared>>) offsets(%dma_start3A_73 : memref<400xi32, #tpu.memory_space<vmem>>) semaphore(%run_scoped3A_72 : memref<!tpu.dma_semaphore, #tpu.memory_space<semaphore_mem>>) {add = true}
        %dma_wait3A_77 = tpu.memref_slice %arg6[%mul3A_54] : memref<10000xi32, #tpu.memory_space<vmem>> -> memref<400xi32, #tpu.memory_space<vmem>>
        %dma_wait3A_78 = arith.constant 0 : i32
        %dma_wait3A_79 = arith.constant 0 : i32
        %dma_wait3A_80 = tpu.memref_slice %arg9[%dma_wait3A_78, %dma_wait3A_79] : memref<10000x128xbf16, #tpu.memory_space<vmem_shared>> -> memref<10000x128xbf16, #tpu.memory_space<vmem_shared>>
        tpu.wait_indirect_dma semaphore(%run_scoped3A_72 : memref<!tpu.dma_semaphore, #tpu.memory_space<semaphore_mem>>) src(%arg7 : memref<400x128xbf16, #tpu.memory_space<vmem>>) dst(%dma_wait3A_80 : memref<10000x128xbf16, #tpu.memory_space<vmem_shared>>)
        tpu.yield
      }) : () -> ()
      %add3A_55 = arith.constant 2 : i32
      %add3A_56 = arith.addi %mul3A_39, %add3A_55 : i32
      %mul3A_57 = arith.constant 400 : i32
      %mul3A_58 = arith.muli %add3A_56, %mul3A_57 : i32
      %dma_start3A_59 = tpu.memref_slice %arg5[%mul3A_58] : memref<10000xi32, #tpu.memory_space<vmem>> -> memref<400xi32, #tpu.memory_space<vmem>>
      %dma_start3A_60 = arith.constant 0 : i32
      %dma_start3A_61 = arith.constant 0 : i32
      %dma_start3A_62 = tpu.memref_slice %arg2[%dma_start3A_60, %dma_start3A_61] : memref<10000x128xbf16, #tpu.memory_space<hbm>> -> memref<10000x128xbf16, #tpu.memory_space<hbm>>
      tpu.enqueue_indirect_dma source(%dma_start3A_62 : memref<10000x128xbf16, #tpu.memory_space<hbm>>) target(%arg7 : memref<400x128xbf16, #tpu.memory_space<vmem>>) offsets(%dma_start3A_59 : memref<400xi32, #tpu.memory_space<vmem>>) semaphore(%arg10 : memref<!tpu.dma_semaphore, #tpu.memory_space<semaphore_mem>>)
      %dma_wait3A_63 = arith.constant 0 : i32
      %dma_wait3A_64 = tpu.memref_slice %arg5[%dma_wait3A_63] : memref<10000xi32, #tpu.memory_space<vmem>> -> memref<400xi32, #tpu.memory_space<vmem>>
      %dma_wait3A_65 = arith.constant 0 : i32
      %dma_wait3A_66 = arith.constant 0 : i32
      %dma_wait3A_67 = tpu.memref_slice %arg2[%dma_wait3A_65, %dma_wait3A_66] : memref<10000x128xbf16, #tpu.memory_space<hbm>> -> memref<10000x128xbf16, #tpu.memory_space<hbm>>
      tpu.wait_indirect_dma semaphore(%arg11 : memref<!tpu.dma_semaphore, #tpu.memory_space<semaphore_mem>>) src(%dma_wait3A_67 : memref<10000x128xbf16, #tpu.memory_space<hbm>>) dst(%arg8 : memref<400x128xbf16, #tpu.memory_space<vmem>>)
      %add3A_68 = arith.constant 1 : i32
      %add3A_69 = arith.addi %mul3A_39, %add3A_68 : i32
      %mul3A_70 = arith.constant 400 : i32
      %mul3A_71 = arith.muli %add3A_69, %mul3A_70 : i32
      "tpu.region"() ({
        %run_scoped3A_72 = tpu.sem_alloc : memref<!tpu.dma_semaphore, #tpu.memory_space<semaphore_mem>>
        %dma_start3A_73 = tpu.memref_slice %arg6[%mul3A_71] : memref<10000xi32, #tpu.memory_space<vmem>> -> memref<400xi32, #tpu.memory_space<vmem>>
        %dma_start3A_74 = arith.constant 0 : i32
        %dma_start3A_75 = arith.constant 0 : i32
        %dma_start3A_76 = tpu.memref_slice %arg9[%dma_start3A_74, %dma_start3A_75] : memref<10000x128xbf16, #tpu.memory_space<vmem_shared>> -> memref<10000x128xbf16, #tpu.memory_space<vmem_shared>>
        tpu.enqueue_indirect_dma source(%arg8 : memref<400x128xbf16, #tpu.memory_space<vmem>>) target(%dma_start3A_76 : memref<10000x128xbf16, #tpu.memory_space<vmem_shared>>) offsets(%dma_start3A_73 : memref<400xi32, #tpu.memory_space<vmem>>) semaphore(%run_scoped3A_72 : memref<!tpu.dma_semaphore, #tpu.memory_space<semaphore_mem>>) {add = true}
        %dma_wait3A_77 = tpu.memref_slice %arg6[%mul3A_71] : memref<10000xi32, #tpu.memory_space<vmem>> -> memref<400xi32, #tpu.memory_space<vmem>>
        %dma_wait3A_78 = arith.constant 0 : i32
        %dma_wait3A_79 = arith.constant 0 : i32
        %dma_wait3A_80 = tpu.memref_slice %arg9[%dma_wait3A_78, %dma_wait3A_79] : memref<10000x128xbf16, #tpu.memory_space<vmem_shared>> -> memref<10000x128xbf16, #tpu.memory_space<vmem_shared>>
        tpu.wait_indirect_dma semaphore(%run_scoped3A_72 : memref<!tpu.dma_semaphore, #tpu.memory_space<semaphore_mem>>) src(%arg8 : memref<400x128xbf16, #tpu.memory_space<vmem>>) dst(%dma_wait3A_80 : memref<10000x128xbf16, #tpu.memory_space<vmem_shared>>)
        tpu.yield
      }) : () -> ()
    }
    %scan3A_27 = arith.constant 12 : i32
    %dma_wait3A = arith.constant 0 : i32
    %dma_wait3A_28 = tpu.memref_slice %arg5[%dma_wait3A] : memref<10000xi32, #tpu.memory_space<vmem>> -> memref<400xi32, #tpu.memory_space<vmem>>
    %dma_wait3A_29 = arith.constant 0 : i32
    %dma_wait3A_30 = arith.constant 0 : i32
    %dma_wait3A_31 = tpu.memref_slice %arg2[%dma_wait3A_29, %dma_wait3A_30] : memref<10000x128xbf16, #tpu.memory_space<hbm>> -> memref<10000x128xbf16, #tpu.memory_space<hbm>>
    tpu.wait_indirect_dma semaphore(%arg10 : memref<!tpu.dma_semaphore, #tpu.memory_space<semaphore_mem>>) src(%dma_wait3A_31 : memref<10000x128xbf16, #tpu.memory_space<hbm>>) dst(%arg7 : memref<400x128xbf16, #tpu.memory_space<vmem>>)
    "tpu.region"() ({
      %run_scoped3A_37 = tpu.sem_alloc : memref<!tpu.dma_semaphore, #tpu.memory_space<semaphore_mem>>
      %dma_start3A_38 = arith.constant 9600 : i32
      %dma_start3A_39 = tpu.memref_slice %arg6[%dma_start3A_38] : memref<10000xi32, #tpu.memory_space<vmem>> -> memref<400xi32, #tpu.memory_space<vmem>>
      %dma_start3A_40 = arith.constant 0 : i32
      %dma_start3A_41 = arith.constant 0 : i32
      %dma_start3A_42 = tpu.memref_slice %arg9[%dma_start3A_40, %dma_start3A_41] : memref<10000x128xbf16, #tpu.memory_space<vmem_shared>> -> memref<10000x128xbf16, #tpu.memory_space<vmem_shared>>
      tpu.enqueue_indirect_dma source(%arg7 : memref<400x128xbf16, #tpu.memory_space<vmem>>) target(%dma_start3A_42 : memref<10000x128xbf16, #tpu.memory_space<vmem_shared>>) offsets(%dma_start3A_39 : memref<400xi32, #tpu.memory_space<vmem>>) semaphore(%run_scoped3A_37 : memref<!tpu.dma_semaphore, #tpu.memory_space<semaphore_mem>>) {add = true}
      %dma_wait3A_43 = arith.constant 9600 : i32
      %dma_wait3A_44 = tpu.memref_slice %arg6[%dma_wait3A_43] : memref<10000xi32, #tpu.memory_space<vmem>> -> memref<400xi32, #tpu.memory_space<vmem>>
      %dma_wait3A_45 = arith.constant 0 : i32
      %dma_wait3A_46 = arith.constant 0 : i32
      %dma_wait3A_47 = tpu.memref_slice %arg9[%dma_wait3A_45, %dma_wait3A_46] : memref<10000x128xbf16, #tpu.memory_space<vmem_shared>> -> memref<10000x128xbf16, #tpu.memory_space<vmem_shared>>
      tpu.wait_indirect_dma semaphore(%run_scoped3A_37 : memref<!tpu.dma_semaphore, #tpu.memory_space<semaphore_mem>>) src(%arg7 : memref<400x128xbf16, #tpu.memory_space<vmem>>) dst(%dma_wait3A_47 : memref<10000x128xbf16, #tpu.memory_space<vmem_shared>>)
      tpu.yield
    }) : () -> ()
    %barrier3A_32 = arith.constant 0 : index
    tpu.barrier barrier_id(%barrier3A_32)
    %mul3A_33 = arith.constant 625 : i32
    %mul3A_34 = arith.muli %arg1, %mul3A_33 : i32
    %mul3A_35 = arith.constant 625 : i32
    %mul3A_36 = arith.muli %arg1, %mul3A_35 : i32
    "tpu.region"() ({
      %run_scoped3A_37 = tpu.sem_alloc : memref<!tpu.dma_semaphore, #tpu.memory_space<semaphore_mem>>
      %dma_start3A_38 = arith.constant 0 : i32
      %dma_start3A_39 = tpu.memref_slice %arg4[%arg0, %mul3A_36, %dma_start3A_38] : memref<2x10000x128xbf16, #tpu.memory_space<hbm>> -> memref<1x625x128xbf16, #tpu.memory_space<hbm>>
      %dma_start3A_40 = tpu.memref_squeeze %dma_start3A_39 : memref<1x625x128xbf16, #tpu.memory_space<hbm>> -> memref<625x128xbf16, #tpu.memory_space<hbm>>
      %dma_start3A_41 = arith.constant 0 : i32
      %dma_start3A_42 = tpu.memref_slice %arg9[%mul3A_34, %dma_start3A_41] : memref<10000x128xbf16, #tpu.memory_space<vmem_shared>> -> memref<625x128xbf16, #tpu.memory_space<vmem_shared>>
      tpu.enqueue_dma source(%dma_start3A_42 : memref<625x128xbf16, #tpu.memory_space<vmem_shared>>) target(%dma_start3A_40 : memref<625x128xbf16, #tpu.memory_space<hbm>>) target_semaphore(%run_scoped3A_37 : memref<!tpu.dma_semaphore, #tpu.memory_space<semaphore_mem>>)
      %dma_wait3A_43 = arith.constant 0 : i32
      %dma_wait3A_44 = tpu.memref_slice %arg4[%arg0, %mul3A_36, %dma_wait3A_43] : memref<2x10000x128xbf16, #tpu.memory_space<hbm>> -> memref<1x625x128xbf16, #tpu.memory_space<hbm>>
      %dma_wait3A_45 = tpu.memref_squeeze %dma_wait3A_44 : memref<1x625x128xbf16, #tpu.memory_space<hbm>> -> memref<625x128xbf16, #tpu.memory_space<hbm>>
      %dma_wait3A_46 = arith.constant 0 : i32
      %dma_wait3A_47 = tpu.memref_slice %arg9[%mul3A_34, %dma_wait3A_46] : memref<10000x128xbf16, #tpu.memory_space<vmem_shared>> -> memref<625x128xbf16, #tpu.memory_space<vmem_shared>>
      tpu.wait_dma2 semaphore(%run_scoped3A_37 : memref<!tpu.dma_semaphore, #tpu.memory_space<semaphore_mem>>) src(%dma_wait3A_47 : memref<625x128xbf16, #tpu.memory_space<vmem_shared>>) dst(%dma_wait3A_45 : memref<625x128xbf16, #tpu.memory_space<hbm>>)
      tpu.yield
    }) : () -> ()
    return
  }
}

module attributes {stable_mosaic.version = 14 : i64} {
  func.func @_tc1_body(%arg0: i32, %arg1: memref<2000x32xf32, #tpu.memory_space<vmem>>, %arg2: memref<2000x128xf32, #tpu.memory_space<vmem>>, %arg3: memref<128x128xf32, #tpu.memory_space<vmem>>, %arg4: memref<2000x1xf32, #tpu.memory_space<vmem>>, %arg5: memref<2000x128xbf16, #tpu.memory_space<vmem>>) attributes {dimension_semantics = [#tpu.dimension_semantics<arbitrary>], iteration_bounds = array<i64: 5>, scalar_prefetch = 0 : i64, scratch_operands = 0 : i64, tpu.core_type = #tpu.core_type<tc>, window_params = [{transform_indices = @transform_0, window_bounds = array<i64: 2000, 32>}, {transform_indices = @transform_1, window_bounds = array<i64: 2000, 128>}, {pipeline_mode = #tpu.pipeline_mode<synchronous>, transform_indices = @transform_2, window_bounds = array<i64: 128, 128>}, {transform_indices = @transform_3, window_bounds = array<i64: 2000, 1>}, {transform_indices = @transform_4, window_bounds = array<i64: 2000, 128>}]} {
    %get3A = arith.constant 0 : index
    %get3A_0 = arith.constant 0 : index
    %get3A_1 = vector.load %arg1[%get3A, %get3A_0] : memref<2000x32xf32, #tpu.memory_space<vmem>>, vector<2000x32xf32>
    %reduce_sum3A = arith.constant dense<0.000000e+00> : vector<2000xf32>
    %reduce_sum3A_2 = vector.multi_reduction <add>, %get3A_1, %reduce_sum3A [1] : vector<2000x32xf32> to vector<2000xf32>
    %broadcast_in_dim3A = vector.shape_cast %reduce_sum3A_2 : vector<2000xf32> to vector<2000x1xf32>
    %add3A = arith.constant 1.000000e+00 : f32
    %add3A_3 = vector.broadcast %add3A : f32 to vector<2000x1xf32>
    %add3A_4 = arith.addf %broadcast_in_dim3A, %add3A_3 : vector<2000x1xf32>
    %rsqrt3A = math.rsqrt %add3A_4 : vector<2000x1xf32>
    %get3A_5 = arith.constant 0 : index
    %get3A_6 = arith.constant 0 : index
    %get3A_7 = vector.load %arg2[%get3A_5, %get3A_6] : memref<2000x128xf32, #tpu.memory_space<vmem>>, vector<2000x128xf32>
    %get3A_8 = arith.constant 0 : index
    %get3A_9 = arith.constant 0 : index
    %get3A_10 = vector.load %arg3[%get3A_8, %get3A_9] : memref<128x128xf32, #tpu.memory_space<vmem>>, vector<128x128xf32>
    %dot_general3A = arith.constant dense<0.000000e+00> : vector<2000x128xf32>
    %dot_general3A_11 = tpu.matmul %get3A_7, %get3A_10, %dot_general3A {dimension_numbers = #tpu.dot_dimension_numbers<[1], [0], [0], [1], [0, 0, 1, 1], [], []>, transpose_lhs_hint = false} : vector<2000x128xf32>, vector<128x128xf32>, vector<2000x128xf32> -> vector<2000x128xf32>
    %swap3A = arith.constant 0 : index
    %swap3A_12 = arith.constant 0 : index
    %swap3A_13 = vector.load %arg4[%swap3A, %swap3A_12] : memref<2000x1xf32, #tpu.memory_space<vmem>>, vector<2000x1xf32>
    tpu.vector_store %arg4[%swap3A, %swap3A_12], %rsqrt3A {strides = array<i32>} : memref<2000x1xf32, #tpu.memory_space<vmem>>, vector<2000x1xf32>,
    %mul3A = vector.broadcast %rsqrt3A : vector<2000x1xf32> to vector<2000x128xf32>
    %mul3A_14 = arith.mulf %dot_general3A_11, %mul3A : vector<2000x128xf32>
    %convert_element_type3A = arith.truncf %mul3A_14 : vector<2000x128xf32> to vector<2000x128xbf16>
    %swap3A_15 = arith.constant 0 : index
    %swap3A_16 = arith.constant 0 : index
    %swap3A_17 = vector.load %arg5[%swap3A_15, %swap3A_16] : memref<2000x128xbf16, #tpu.memory_space<vmem>>, vector<2000x128xbf16>
    tpu.vector_store %arg5[%swap3A_15, %swap3A_16], %convert_element_type3A {strides = array<i32>} : memref<2000x128xbf16, #tpu.memory_space<vmem>>, vector<2000x128xbf16>,
    return
  }
  func.func @transform_0(%arg0: i32) -> (i32, i32) {
    %c0_i32 = arith.constant 0 : i32
    %c0_i32_0 = arith.constant 0 : i32
    return %arg0, %c0_i32 : i32, i32
  }
  func.func @transform_1(%arg0: i32) -> (i32, i32) {
    %c0_i32 = arith.constant 0 : i32
    %c0_i32_0 = arith.constant 0 : i32
    return %arg0, %c0_i32 : i32, i32
  }
  func.func @transform_2(%arg0: i32) -> (i32, i32) {
    %c0_i32 = arith.constant 0 : i32
    %c0_i32_0 = arith.constant 0 : i32
    %c0_i32_1 = arith.constant 0 : i32
    return %c0_i32, %c0_i32_0 : i32, i32
  }
  func.func @transform_3(%arg0: i32) -> (i32, i32) {
    %c0_i32 = arith.constant 0 : i32
    %c0_i32_0 = arith.constant 0 : i32
    return %arg0, %c0_i32 : i32, i32
  }
  func.func @transform_4(%arg0: i32) -> (i32, i32) {
    %c0_i32 = arith.constant 0 : i32
    %c0_i32_0 = arith.constant 0 : i32
    return %arg0, %c0_i32 : i32, i32
  }
}

module attributes {stable_mosaic.version = 14 : i64} {
  func.func @_tc2_body(%arg0: i32, %arg1: memref<2x2000x128xbf16, #tpu.memory_space<vmem>>, %arg2: memref<2000x128xbf16, #tpu.memory_space<vmem>>, %arg3: memref<2000x1xf32, #tpu.memory_space<vmem>>, %arg4: memref<1x128xf32, #tpu.memory_space<vmem>>, %arg5: memref<128x128xf32, #tpu.memory_space<vmem>>, %arg6: memref<2000x128xbf16, #tpu.memory_space<vmem>>) attributes {dimension_semantics = [#tpu.dimension_semantics<arbitrary>], iteration_bounds = array<i64: 5>, scalar_prefetch = 0 : i64, scratch_operands = 0 : i64, tpu.core_type = #tpu.core_type<tc>, window_params = [{transform_indices = @transform_0, window_bounds = array<i64: 2, 2000, 128>}, {transform_indices = @transform_1, window_bounds = array<i64: 2000, 128>}, {transform_indices = @transform_2, window_bounds = array<i64: 2000, 1>}, {pipeline_mode = #tpu.pipeline_mode<synchronous>, transform_indices = @transform_3, window_bounds = array<i64: 1, 128>}, {pipeline_mode = #tpu.pipeline_mode<synchronous>, transform_indices = @transform_4, window_bounds = array<i64: 128, 128>}, {transform_indices = @transform_5, window_bounds = array<i64: 2000, 128>}]} {
    %get3A = arith.constant 0 : index
    %get3A_0 = arith.constant 0 : index
    %get3A_1 = vector.load %arg3[%get3A, %get3A_0] : memref<2000x1xf32, #tpu.memory_space<vmem>>, vector<2000x1xf32>
    %get3A_2 = arith.constant 0 : index
    %get3A_3 = arith.constant 0 : index
    %get3A_4 = arith.constant 0 : index
    %get3A_5 = vector.load %arg1[%get3A_2, %get3A_3, %get3A_4] : memref<2x2000x128xbf16, #tpu.memory_space<vmem>>, vector<1x2000x128xbf16>
    %get3A_6 = vector.shape_cast %get3A_5 : vector<1x2000x128xbf16> to vector<2000x128xbf16>
    %convert_element_type3A = arith.extf %get3A_6 : vector<2000x128xbf16> to vector<2000x128xf32>
    %get3A_7 = arith.constant 1 : index
    %get3A_8 = arith.constant 0 : index
    %get3A_9 = arith.constant 0 : index
    %get3A_10 = vector.load %arg1[%get3A_7, %get3A_8, %get3A_9] : memref<2x2000x128xbf16, #tpu.memory_space<vmem>>, vector<1x2000x128xbf16>
    %get3A_11 = vector.shape_cast %get3A_10 : vector<1x2000x128xbf16> to vector<2000x128xbf16>
    %convert_element_type3A_12 = arith.extf %get3A_11 : vector<2000x128xbf16> to vector<2000x128xf32>
    %add3A = arith.addf %convert_element_type3A, %convert_element_type3A_12 : vector<2000x128xf32>
    %get3A_13 = arith.constant 0 : index
    %get3A_14 = arith.constant 0 : index
    %get3A_15 = vector.load %arg2[%get3A_13, %get3A_14] : memref<2000x128xbf16, #tpu.memory_space<vmem>>, vector<2000x128xbf16>
    %convert_element_type3A_16 = arith.extf %get3A_15 : vector<2000x128xbf16> to vector<2000x128xf32>
    %add3A_17 = arith.addf %add3A, %convert_element_type3A_16 : vector<2000x128xf32>
    %mul3A = vector.broadcast %get3A_1 : vector<2000x1xf32> to vector<2000x128xf32>
    %mul3A_18 = arith.mulf %mul3A, %add3A_17 : vector<2000x128xf32>
    %get3A_19 = arith.constant 0 : index
    %get3A_20 = arith.constant 0 : index
    %get3A_21 = vector.load %arg4[%get3A_19, %get3A_20] : memref<1x128xf32, #tpu.memory_space<vmem>>, vector<1x128xf32>
    %add3A_22 = vector.broadcast %get3A_21 : vector<1x128xf32> to vector<2000x128xf32>
    %add3A_23 = arith.addf %mul3A_18, %add3A_22 : vector<2000x128xf32>
    %max3A = arith.constant 0.000000e+00 : f32
    %max3A_24 = vector.broadcast %max3A : f32 to vector<2000x128xf32>
    %max3A_25 = arith.maximumf %add3A_23, %max3A_24 : vector<2000x128xf32>
    %get3A_26 = arith.constant 0 : index
    %get3A_27 = arith.constant 0 : index
    %get3A_28 = vector.load %arg5[%get3A_26, %get3A_27] : memref<128x128xf32, #tpu.memory_space<vmem>>, vector<128x128xf32>
    %dot_general3A = arith.constant dense<0.000000e+00> : vector<2000x128xf32>
    %dot_general3A_29 = tpu.matmul %max3A_25, %get3A_28, %dot_general3A {dimension_numbers = #tpu.dot_dimension_numbers<[1], [0], [0], [1], [0, 0, 1, 1], [], []>, transpose_lhs_hint = false} : vector<2000x128xf32>, vector<128x128xf32>, vector<2000x128xf32> -> vector<2000x128xf32>
    %mul3A_30 = vector.broadcast %get3A_1 : vector<2000x1xf32> to vector<2000x128xf32>
    %mul3A_31 = arith.mulf %dot_general3A_29, %mul3A_30 : vector<2000x128xf32>
    %convert_element_type3A_32 = arith.truncf %mul3A_31 : vector<2000x128xf32> to vector<2000x128xbf16>
    %swap3A = arith.constant 0 : index
    %swap3A_33 = arith.constant 0 : index
    %swap3A_34 = vector.load %arg6[%swap3A, %swap3A_33] : memref<2000x128xbf16, #tpu.memory_space<vmem>>, vector<2000x128xbf16>
    tpu.vector_store %arg6[%swap3A, %swap3A_33], %convert_element_type3A_32 {strides = array<i32>} : memref<2000x128xbf16, #tpu.memory_space<vmem>>, vector<2000x128xbf16>,
    return
  }
  func.func @transform_0(%arg0: i32) -> (i32, i32, i32) {
    %c0_i32 = arith.constant 0 : i32
    %c0_i32_0 = arith.constant 0 : i32
    %c0_i32_1 = arith.constant 0 : i32
    return %c0_i32, %arg0, %c0_i32_0 : i32, i32, i32
  }
  func.func @transform_1(%arg0: i32) -> (i32, i32) {
    %c0_i32 = arith.constant 0 : i32
    %c0_i32_0 = arith.constant 0 : i32
    return %arg0, %c0_i32 : i32, i32
  }
  func.func @transform_2(%arg0: i32) -> (i32, i32) {
    %c0_i32 = arith.constant 0 : i32
    %c0_i32_0 = arith.constant 0 : i32
    return %arg0, %c0_i32 : i32, i32
  }
  func.func @transform_3(%arg0: i32) -> (i32, i32) {
    %c0_i32 = arith.constant 0 : i32
    %c0_i32_0 = arith.constant 0 : i32
    %c0_i32_1 = arith.constant 0 : i32
    return %c0_i32, %c0_i32_0 : i32, i32
  }
  func.func @transform_4(%arg0: i32) -> (i32, i32) {
    %c0_i32 = arith.constant 0 : i32
    %c0_i32_0 = arith.constant 0 : i32
    %c0_i32_1 = arith.constant 0 : i32
    return %c0_i32, %c0_i32_0 : i32, i32
  }
  func.func @transform_5(%arg0: i32) -> (i32, i32) {
    %c0_i32 = arith.constant 0 : i32
    %c0_i32_0 = arith.constant 0 : i32
    return %arg0, %c0_i32 : i32, i32
  }
}

module attributes {stable_mosaic.version = 14 : i64} {
  func.func @_tc3_body(%arg0: i32, %arg1: memref<2x2000x128xbf16, #tpu.memory_space<vmem>>, %arg2: memref<2000x128xbf16, #tpu.memory_space<vmem>>, %arg3: memref<2000x1xf32, #tpu.memory_space<vmem>>, %arg4: memref<1x128xf32, #tpu.memory_space<vmem>>, %arg5: memref<2000x128xf32, #tpu.memory_space<vmem>>) attributes {dimension_semantics = [#tpu.dimension_semantics<arbitrary>], iteration_bounds = array<i64: 5>, scalar_prefetch = 0 : i64, scratch_operands = 0 : i64, tpu.core_type = #tpu.core_type<tc>, window_params = [{transform_indices = @transform_0, window_bounds = array<i64: 2, 2000, 128>}, {transform_indices = @transform_1, window_bounds = array<i64: 2000, 128>}, {transform_indices = @transform_2, window_bounds = array<i64: 2000, 1>}, {pipeline_mode = #tpu.pipeline_mode<synchronous>, transform_indices = @transform_3, window_bounds = array<i64: 1, 128>}, {transform_indices = @transform_4, window_bounds = array<i64: 2000, 128>}]} {
    %get3A = arith.constant 0 : index
    %get3A_0 = arith.constant 0 : index
    %get3A_1 = vector.load %arg3[%get3A, %get3A_0] : memref<2000x1xf32, #tpu.memory_space<vmem>>, vector<2000x1xf32>
    %get3A_2 = arith.constant 0 : index
    %get3A_3 = arith.constant 0 : index
    %get3A_4 = arith.constant 0 : index
    %get3A_5 = vector.load %arg1[%get3A_2, %get3A_3, %get3A_4] : memref<2x2000x128xbf16, #tpu.memory_space<vmem>>, vector<1x2000x128xbf16>
    %get3A_6 = vector.shape_cast %get3A_5 : vector<1x2000x128xbf16> to vector<2000x128xbf16>
    %convert_element_type3A = arith.extf %get3A_6 : vector<2000x128xbf16> to vector<2000x128xf32>
    %get3A_7 = arith.constant 1 : index
    %get3A_8 = arith.constant 0 : index
    %get3A_9 = arith.constant 0 : index
    %get3A_10 = vector.load %arg1[%get3A_7, %get3A_8, %get3A_9] : memref<2x2000x128xbf16, #tpu.memory_space<vmem>>, vector<1x2000x128xbf16>
    %get3A_11 = vector.shape_cast %get3A_10 : vector<1x2000x128xbf16> to vector<2000x128xbf16>
    %convert_element_type3A_12 = arith.extf %get3A_11 : vector<2000x128xbf16> to vector<2000x128xf32>
    %add3A = arith.addf %convert_element_type3A, %convert_element_type3A_12 : vector<2000x128xf32>
    %get3A_13 = arith.constant 0 : index
    %get3A_14 = arith.constant 0 : index
    %get3A_15 = vector.load %arg2[%get3A_13, %get3A_14] : memref<2000x128xbf16, #tpu.memory_space<vmem>>, vector<2000x128xbf16>
    %convert_element_type3A_16 = arith.extf %get3A_15 : vector<2000x128xbf16> to vector<2000x128xf32>
    %add3A_17 = arith.addf %add3A, %convert_element_type3A_16 : vector<2000x128xf32>
    %mul3A = vector.broadcast %get3A_1 : vector<2000x1xf32> to vector<2000x128xf32>
    %mul3A_18 = arith.mulf %mul3A, %add3A_17 : vector<2000x128xf32>
    %get3A_19 = arith.constant 0 : index
    %get3A_20 = arith.constant 0 : index
    %get3A_21 = vector.load %arg4[%get3A_19, %get3A_20] : memref<1x128xf32, #tpu.memory_space<vmem>>, vector<1x128xf32>
    %add3A_22 = vector.broadcast %get3A_21 : vector<1x128xf32> to vector<2000x128xf32>
    %add3A_23 = arith.addf %mul3A_18, %add3A_22 : vector<2000x128xf32>
    %swap3A = arith.constant 0 : index
    %swap3A_24 = arith.constant 0 : index
    %swap3A_25 = vector.load %arg5[%swap3A, %swap3A_24] : memref<2000x128xf32, #tpu.memory_space<vmem>>, vector<2000x128xf32>
    tpu.vector_store %arg5[%swap3A, %swap3A_24], %add3A_23 {strides = array<i32>} : memref<2000x128xf32, #tpu.memory_space<vmem>>, vector<2000x128xf32>,
    return
  }
  func.func @transform_0(%arg0: i32) -> (i32, i32, i32) {
    %c0_i32 = arith.constant 0 : i32
    %c0_i32_0 = arith.constant 0 : i32
    %c0_i32_1 = arith.constant 0 : i32
    return %c0_i32, %arg0, %c0_i32_0 : i32, i32, i32
  }
  func.func @transform_1(%arg0: i32) -> (i32, i32) {
    %c0_i32 = arith.constant 0 : i32
    %c0_i32_0 = arith.constant 0 : i32
    return %arg0, %c0_i32 : i32, i32
  }
  func.func @transform_2(%arg0: i32) -> (i32, i32) {
    %c0_i32 = arith.constant 0 : i32
    %c0_i32_0 = arith.constant 0 : i32
    return %arg0, %c0_i32 : i32, i32
  }
  func.func @transform_3(%arg0: i32) -> (i32, i32) {
    %c0_i32 = arith.constant 0 : i32
    %c0_i32_0 = arith.constant 0 : i32
    %c0_i32_1 = arith.constant 0 : i32
    return %c0_i32, %c0_i32_0 : i32, i32
  }
  func.func @transform_4(%arg0: i32) -> (i32, i32) {
    %c0_i32 = arith.constant 0 : i32
    %c0_i32_0 = arith.constant 0 : i32
    return %arg0, %c0_i32 : i32, i32
  }
}

</mosaic_0001>

<sc_bundles>
// kernel: kernel.11.cloned.1.call-start
scs
__scs_entry_jumppad:
0x0: {  	(pc) =	sbr.rel $0x88, $3  }
0x1: {  	(tag) =	ssettag $0x0;
	lr =	simm.s32 $0x1  }
0x2: {  	[smem:$0x3F9B] =	sst lr;
	_ =	strace $0xD0000000  }
0x3: {  	_ = 	snop  }
0x4: {  	_ = 	snop  }
0x5: {  	_ = 	snop  }
0x6: {  	_ = 	snop  }
0x7: {  	_ = 	snop  }
__scs_overlays_trampoline_lowered:
0x8: {  	[smem:$0x3FAA] =	sst s0  }
0x9: {  	[smem:$0x3FAB] =	sst s1  }
0xa: {  	[smem:$0x3FAC] =	sst s2  }
0xb: {  	[smem:$0x3FAD] =	sst s3  }
0xc: {  	[smem:$0x3FAE] =	sst s4  }
0xd: {  	[smem:$0x3FAF] =	sst s5  }
0xe: {  	[smem:$0x3FB0] =	sst s6  }
0xf: {  	[smem:$0x3FB1] =	sst s7  }
0x10: {  	[smem:$0x3FB2] =	sst s8  }
0x11: {  	[smem:$0x3FB3] =	sst s9;
	s0 =	simm.s32 @!p0 $0x0  }
0x12: {  	s1 =	sld [smem:$0x3F99];
	s0 =	simm.s32 @p0 $0x1  }
0x13: {  	[smem:$0x3FB4] =	sst s0;
	s0 =	simm.s32 @!p1 $0x0  }
0x14: {  	s2 =	sld [smem:$0x3F98];
	s0 =	simm.s32 @p1 $0x1  }
0x15: {  	[smem:$0x3FB5] =	sst s0;
	s0 =	simm.s32 @!p2 $0x0  }
0x16: {  	s3 =	sld [smem:$0x3FDB];
	s0 =	simm.s32 @p2 $0x1  }
0x17: {  	s4 =	simm.s32 $0x1BF5;
	[smem:$0x3FB7] =	sst s0  }
0x18: {  	s0 =	sld [smem:$0x3F9A];
	_ =	swait.ge [sflag:s4], $0x0  }
0x19: {  	s7 =	sld [smem:$0x3F9B]  }
0x1a: {  	s8 =	sadd.s32 $0xFFFFE003, lr  }
0x1b: {  	s9 =	sadd.s32 $0xFFFFFEF7, lr;
	s5 =	simm.s32 $0xFFFFFFFF;
	p2 =	slt.u32 s8, $0xFFFFF086  }
0x1c: {  	p1 =	slt.u32 s9, $0xF7A;
	s5 =	simm.s32 @!p2 $0x0  }
0x1d: {  	s5 =	simm.s32 @p1 $0x1;
	p0 =	seq.s32 s7, s2  }
0x1e: {  	s7 =	smul.u32 @!p0 $0xF7A, s2;
	p2 =	seq.s32 @!p0 s5, $0x0  }
0x1f: {  	s9 =	smul.u32 $0xF7A, s1;
	s8 =	simm.s32 @!p0 $0x1BF5;
	p2 =	por !p2, p0  }
0x20: {  	[sflag:s8] =	ssyncset.s32 @!p0 $0xFFFFF086;
	s6 =	sadd.s32 @!p0 s3, s7;
	s7 =	simm.s32 @!p0 $0x108  }
0x21: {  	s3 =	sadd.s32 s3, s9;
	s6 =	sadd.s32 @!p0 $0x88, s6;
	s7 =	simm.s32 @p2 $0x1082  }
0x22: {  	[simem:s7], [sflag:s8] =	dma.local @!p0 [hbm:s6], $0xF7A  }
0x23: {  	s9 =	sor.u32 $0xD0000000, s2;
	s6 =	simm.s32 $0x108;
	_ =	swait.ge @!p0 [sflag:s8], $0x0  }
0x24: {  	s3 =	sadd.s32 $0x88, s3;
	s6 =	simm.s32 @!p1 $0x1082;
	[sflag:s4] =	ssyncset.s32 $0xFFFFF086  }
0x25: {  	[simem:s6], [sflag:s4] =	dma.local [hbm:s3], $0xF7A  }
0x26: {  	[smem:$0x3F9B] =	sst s1;
	(tag) =	ssettag s2;
	_ =	strace s9  }
0x27: {  	s1 =	sld [smem:$0x3FAB]  }
0x28: {  	s2 =	sld [smem:$0x3FAC]  }
0x29: {  	s4 =	sld [smem:$0x3FAE]  }
0x2a: {  	p0 =	seq.s32 s5, $0x0;
	s5 =	sld [smem:$0x3FAF]  }
0x2b: {  	s6 =	sld [smem:$0x3FB0]  }
0x2c: {  	s7 =	sld [smem:$0x3FB1]  }
0x2d: {  	s3 =	simm.s32 $0x108;
	s8 =	sld [smem:$0x3FB2]  }
0x2e: {  	s3 =	simm.s32 @!p0 $0x1082;
	s9 =	sld [smem:$0x3FB3]  }
0x2f: {  	lr =	sadd.s32 s0, s3;
	s0 =	sld [smem:$0x3FAA]  }
0x30: {  	s3 =	sld [smem:$0x3FAD]  }
0x31: {  	[smem:$0x3FB6] =	sst s10  }
0x32: {  	s10 =	sld [smem:$0x3FB4];
	_ =	sdelay $0x3  }
0x33: {  	p0 =	seq.s32 s10, $0x1;
	s10 =	sld [smem:$0x3FB6];
	_ =	sdelay $0x3  }
0x34: {  	[smem:$0x3FB6] =	sst s10  }
0x35: {  	s10 =	sld [smem:$0x3FB5];
	_ =	sdelay $0x3  }
0x36: {  	p1 =	seq.s32 s10, $0x1;
	s10 =	sld [smem:$0x3FB6];
	_ =	sdelay $0x3  }
0x37: {  	[smem:$0x3FB6] =	sst s10  }
0x38: {  	s10 =	sld [smem:$0x3FB7]  }
0x39: {  	_ = 	snop;
	(pc) =	sbr.ind lr, $3  }
0x3a: {  	_ = 	snop  }
0x3b: {  	_ = 	snop  }
0x3c: {  	p2 =	seq.s32 s10, $0x1;
	s10 =	sld [smem:$0x3FB6]  }
0x3d: {  	_ =	shalt  }
0x3e: {  	_ =	shalt  }
0x3f: {  	_ =	shalt  }
0x40: {  	_ =	shalt  }
0x41: {  	_ =	shalt  }
0x42: {  	_ =	shalt  }
0x43: {  	_ =	shalt  }
0x44: {  	_ =	shalt  }
0x45: {  	_ =	shalt  }
0x46: {  	_ =	shalt  }
0x47: {  	_ =	shalt  }
0x48: {  	_ =	shalt  }
0x49: {  	_ =	shalt  }
0x4a: {  	_ =	shalt  }
0x4b: {  	_ =	shalt  }
0x4c: {  	_ =	shalt  }
0x4d: {  	_ =	shalt  }
0x4e: {  	_ =	shalt  }
0x4f: {  	_ =	shalt  }
0x50: {  	_ =	shalt  }
0x51: {  	_ =	shalt  }
0x52: {  	_ =	shalt  }
0x53: {  	_ =	shalt  }
0x54: {  	_ =	shalt  }
0x55: {  	_ =	shalt  }
0x56: {  	_ =	shalt  }
0x57: {  	_ =	shalt  }
0x58: {  	_ =	shalt  }
0x59: {  	_ =	shalt  }
0x5a: {  	_ =	shalt  }
0x5b: {  	_ =	shalt  }
0x5c: {  	_ =	shalt  }
0x5d: {  	_ =	shalt  }
0x5e: {  	_ =	shalt  }
0x5f: {  	_ =	shalt  }
0x60: {  	_ =	shalt  }
0x61: {  	_ =	shalt  }
0x62: {  	_ =	shalt  }
0x63: {  	_ =	shalt  }
0x64: {  	_ =	shalt  }
0x65: {  	_ =	shalt  }
0x66: {  	_ =	shalt  }
0x67: {  	_ =	shalt  }
0x68: {  	_ =	shalt  }
0x69: {  	_ =	shalt  }
0x6a: {  	_ =	shalt  }
0x6b: {  	_ =	shalt  }
0x6c: {  	_ =	shalt  }
0x6d: {  	_ =	shalt  }
0x6e: {  	_ =	shalt  }
0x6f: {  	_ =	shalt  }
0x70: {  	_ =	shalt  }
0x71: {  	_ =	shalt  }
0x72: {  	_ =	shalt  }
0x73: {  	_ =	shalt  }
0x74: {  	_ =	shalt  }
0x75: {  	_ =	shalt  }
0x76: {  	_ =	shalt  }
0x77: {  	_ =	shalt  }
0x78: {  	_ =	shalt  }
0x79: {  	_ =	shalt  }
0x7a: {  	_ =	shalt  }
0x7b: {  	_ =	shalt  }
0x7c: {  	_ =	shalt  }
0x7d: {  	_ =	shalt  }
0x7e: {  	_ =	shalt  }
0x7f: {  	_ =	shalt  }
0x80: {  	_ =	shalt  }
0x81: {  	_ =	shalt  }
0x82: {  	_ =	shalt  }
0x83: {  	_ =	shalt  }
0x84: {  	_ =	shalt  }
0x85: {  	_ =	shalt  }
0x86: {  	_ =	shalt  }
0x87: {  	_ =	shalt  }
.Lfunc_end0:
.L_simem_size_0:
called_computation.1_lowered:
.L_overlay_start_0:
0x88: {  	s2 =	sld [smem:$0x3FD9]  }
0x89: {  	s3 =	sld [smem:$0x3FFE];
	_ =	sdelay $0x1  }
0x8a: {  	s1 =	srdreg.scid  }
0x8b: {  	s0 =	sand.u32 $0x1, s1  }
0x8c: {  	s17 =	sshll.u32 s0, $0xA;
	s2 =	sadd.s32 s3, s2  }
0x8d: {  	s2 =	sadd.s32 s2, s17  }
0x8e: {  	[smem:$0x3FC2] =	sst s2  }
0x8f: {  	_ = 	snop  }
0x90: {  	s2 =	sld [smem:$0x3FD0];
	(tm) =	ssettm $0x1  }
0x91: {  	s18 =	sld [smem:$0x3FFB];
	_ =	sdelay $0x3  }
0x92: {  	_ =	strace s18  }
0x93: {  	s3 =	sld [smem:$0x3FFC];
	_ =	sdelay $0x3  }
0x94: {  	_ =	strace s3  }
0x95: {  	s3 =	sld [smem:$0x3FFD];
	_ =	sdelay $0x3  }
0x96: {  	_ =	strace s3  }
0x97: {  	_ =	strace $0x8FFFFFFF  }
0x98: {  	s19 =	sld [smem:$0x3FDB];
	_ =	sdelay $0x1  }
0x99: {  	s4 =	simm.s32 $_scs_section_size  }
0x9a: {  	s5 =	simm.s32 $_size__tile_overlayer_lowered;
	s6 =	simm.s32 $_tile_overlayer_lowered  }
0x9b: {  	s22 =	simm.s32 $0x1BFF;
	s21 =	sshll.u32 s6, $0x1;
	s3 =	sadd.s32 s4, s19  }
0x9c: {  	s7 =	simm.s32 $0x0;
	s20 =	sshll.u32 s5, $0x1;
	s5 =	sadd.s32 s21, s3  }
0x9d: {  	[timem:s7], [sflag:s22] =	dma.local [hbm:s5], s20  }
0x9e: {  	_ =	swait.ge [sflag:s22], s20  }
0x9f: {  	s4 =	ssub.s32 $0x0, s20;
	[sflag:s22] =	ssyncset.done $0x0  }
0xa0: {  	[sflag:s22] =	ssyncadd.s32 s4;
	_ =	sdelay $0x1  }
0xa1: {  	s23 =	simm.s32 $0x1B8B  }
0xa2: {  	_ =	swait.ge [sflag:s23], $0x1  }
0xa3: {  	[sflag:s23] =	ssyncset.done $0x0  }
0xa4: {  	s25 =	simm.s32 $0x1B8E;
	s24 =	sld [smem:$0x3FFE];
	[sflag:s23] =	ssyncadd.s32 $0xFFFFFFFF  }
0xa5: {  	s26 =	simm.s32 $execute0_lowered;
	[smem:$0x3FD2] =	sst s25  }
0xa6: {  	s5 =	sshll.u32 s26, $0x1;
	_ =	strace $0x80000049;
	[dreg:$0x1] =	wrdreg $0xFFFFFFFF  }
0xa7: {  	s28 =	simm.s32 $_size_execute0_lowered;
	s3 =	sadd.s32 s3, s5;
	[dreg:$0x0] =	wrdreg $0x0  }
0xa8: {  	s5 =	sshll.u32 s28, $0x1;
	[dreg:$0x2] =	wrdreg s3  }
0xa9: {  	[dreg:$0x3] =	wrdreg s5  }
0xaa: {  	[dreg:$0x4] =	wrdreg $0xC0  }
0xab: {  	_ =	task [dreg:s7], $0x5FFFF  }
0xac: {  	[dreg:$0x1] =	wrdreg $0xFFFFFFFF  }
0xad: {  	[dreg:$0x0] =	wrdreg $0x60  }
0xae: {  	[dreg:$0x2] =	wrdreg s24  }
0xaf: {  	[dreg:$0x3] =	wrdreg s2  }
0xb0: {  	[dreg:$0x4] =	wrdreg $0x116200  }
0xb1: {  	[dreg:$0x5] =	wrdreg $0x9  }
0xb2: {  	_ =	task.clear_ibuf [dreg:s7], $0x6FFFF;
	_ =	strace $0x90000049  }
0xb3: {  	s29 =	simm.s32 $0x9;
	_ =	strace $0x8000004B  }
0xb4: {  	_ =	swait.ge [sflag:s29], $0x1  }
0xb5: {  	[sflag:s29] =	ssyncadd.s32 $0xFFFFFFFF  }
0xb6: {  	_ =	strace $0x9000004B  }
0xb7: {  	_ =	sfence  }
0xb8: {  	s30 =	sld [smem:$0x0];
	_ =	sdelay $0x2  }
0xb9: {  	s31 =	sshll.u32 s1, $0xD;
	s1 =	sshrl.u32 s1, $0x2  }
0xba: {  	s3 =	sand.u32 $0x4000, s31;
	s1 =	sadd.s32 s1, s30  }
0xbb: {  	s0 =	sor.u32 s3, s0;
	s1 =	sshll.u32 s1, $0x11  }
0xbc: {  	s0 =	sor.u32 s1, s0  }
0xbd: {  	s0 =	sadd.s32 $0x8F2B, s0  }
0xbe: {  	[sflag:s0] =	ssyncadd.remote.s32 $0x1  }
0xbf: {  	_ =	sfence.sel $0xFFFF  }
0xc0: {  	[dreg:$0x0] =	wrdreg $0xFFFFFFFF;
	(pc) =	sbr.abs _section_cstart, $3  }
0xc1: {  	[dreg:$0x1] =	wrdreg $0xFFFFFFFF  }
0xc2: {  	_ =	task.clear_ibuf [dreg:s7], $0x2FFFF;
	_ =	strace $0x9FFFFFFF  }
0xc3: {  	(tm) =	ssettm $0x7FFFFFFF  }
tec
execute0_lowered:
.L_overlay_start_1:
0x0: {  	(tag) =	ssettag $0x1  }
0x1: {  	s5 =	rddreg [dreg:$0x0]  }
0x2: {  	s9 =	rddreg [dreg:$0x1];
	s1 =	srdreg.scid  }
0x3: {  	s0 =	stileid.u32;
	s2 =	rddreg [dreg:$0x2];
	s3 =	simm.s32 $0x0  }
0x4: {  	s13 =	simm.s32 $0x4E20;
	s14 =	simm.s32 $0x2710;
	s15 =	simm.s32 $0xB220  }
0x5: {  	s16 =	simm.s32 $0x1;
	s17 =	simm.s32 $0x2;
	s18 =	simm.s32 $0x4C90  }
0x6: {  	s21 =	simm.s32 $0x0;
	s6 =	sand.u32 $0x1, s1;
	s1 =	rddreg [dreg:$0x3]  }
0x7: {  	s4 =	sshll.u32 s0, $0x1;
	[smem:$0x7FF] =	sst s3;
	s8 =	smul.u32 $0x13880, s0  }
0x8: {  	s11 =	smul.u32 $0x27100, s0;
	s19 =	sshll.u32 s0, $0x6;
	s4 =	sor.u32 s6, s4  }
0x9: {  	_ =	strace $0x8000004A;
	s10 =	ssub.s32 $0x2, s6;
	s12 =	smul.u32 $0x138800, s6  }
0xa: {  	s19 =	sor.u32 $0x1C03, s19;
	s7 =	smul.u32 $0x2710, s4;
	s4 =	sadd.s32 $0x15800, s5  }
0xb: {  	s30 =	sshrl.u32 s10, $0x1;
	s31 =	sshrl.u32 s8, $0x1;
	s11 =	sshrl.u32 s11, $0x2  }
0xc: {  	s10 =	ssub.s32 s10, s30;
	s8 =	sadd.s32 s8, s12;
	s11 =	sadd.s32 s11, s2  }
0xd: {  	s7 =	sshrl.u32 s7, $0x3;
	s12 =	sshrl.u32 s8, $0x4;
	s8 =	sadd.s32 $0x6400, s11  }
0xe: {  	s10 =	smax.u32 s10, $0x1;
	s11 =	simm.s32 $0x3;
	s7 =	sadd.s32 s7, s5  }
0xf: {  	s5 =	sadd.s32 $0x1E00, s7;
	s6 =	sadd.s32 $0xBA40, s7;
	s7 =	sadd.s32 s31, s2  }
0x10: {  	v0 =	vimm.bf16 $0.0e+00;
	s9 =	sadd.s32 s9, s12;
	s12 =	simm.s32 $0x190;
	s20 =	sshrl.u32 s7, $0x3  }
.LBB2_1:
0x11: {  	[tilespmem:s3], [sflag:$0x3] =	stream.linear.gather [hbm4b:s5+s3], $0x2710, $0x38;
	[tilespmem:$0x1B260] =	vst v63  }
0x12: {  	_ =	swait.ge [sflag:s11], $0x2710  }
0x13: {  	[sflag:s11] =	ssyncset.done $0x0  }
0x14: {  	[sflag:s11] =	ssyncadd.s32 $0xFFFFD8F0  }
0x15: {  	[tilespmem:s13], [sflag:$0x1] =	stream.indirect.gather [hbm4b:s4+s12], $0x40, s3, s12, $0xb8;
	[tilespmem:$0x1B260] =	vst v63  }
0x16: {  	_ = 	snop  }
0x17: {  	[tilespmem:s14], [sflag:$0x3] =	stream.linear.gather [hbm4b:s6+s3], $0x2710, $0x38;
	[tilespmem:$0x1B260] =	vst v63  }
0x18: {  	s22 =	sand.u32 $0x1FF00, s3;
	s23 =	sand.u32 $0x60, s3;
	_ =	swait.ge [sflag:s11], $0x2710  }
0x19: {  	s22 =	sshrl.u32 s22, $0x2;
	s23 =	sshrl.u32 s23, $0x1;
	[sflag:s11] =	ssyncset.done $0x0  }
0x1a: {  	s23 =	sor.u32 s23, s22;
	[sflag:s11] =	ssyncadd.s32 $0xFFFFD8F0  }
0x1b: {  	s22 =	simm.s32 $0x40;
	[tilespmem:s23+$0xB220] =	vst v0;
	s23 =	simm.s32 $0x0  }
.LBB2_2:
0x1c: {  	p0 =	sne.s32 s22, $0x18FC0  }
.Ltmp0:
0x1d: {  	s24 =	sand.u32 $0x1FF00, s22;
	s23 =	sadd.s32 $0x20, s23;
	(pc) =	sbr.rel @p0 .LBB2_2-.Ltmp0, $4  }
0x1e: {  	s22 =	sadd.s32 $0x40, s22;
	s25 =	sand.u32 $0x60, s23  }
0x1f: {  	s24 =	sshrl.u32 s24, $0x2;
	s25 =	sshrl.u32 s25, $0x1  }
0x20: {  	s24 =	sor.u32 s25, s24  }
0x21: {  	[tilespmem:s24+$0xB220] =	vst v0  }
0x22: {  	[spmem:s7] =	stream.linear.scatter [tilespmem:s15], [sflag:$0x3], $0x6400, $0x38;
	[tilespmem:$0x1B260] =	vst v63  }
0x23: {  	_ =	swait.ge [sflag:s11], $0x6400  }
0x24: {  	[sflag:s11] =	ssyncset.done $0x0  }
0x25: {  	[sflag:s11] =	ssyncadd.s32 $0xFFFF9C00  }
0x26: {  	[spmem:s8] =	stream.linear.scatter [tilespmem:s15], [sflag:$0x3], $0x3840, $0x38;
	[tilespmem:$0x1B260] =	vst v63  }
0x27: {  	_ =	swait.ge [sflag:s11], $0x3840  }
0x28: {  	[sflag:s11] =	ssyncset.done $0x0  }
0x29: {  	[sflag:s11] =	ssyncadd.s32 $0xFFFFC7C0  }
0x2a: {  	s22 =	simm.s32 $0x190;
	[bflag:$0x0] =	sbarrier.arrive $0xFFFF  }
0x2b: {  	[tilespmem:s15], [sflag:$0x2] =	stream.indirect.gather [hbm4b:s4+s12], $0x40, s22, s12, $0xb8;
	[tilespmem:$0x1B260] =	vst v63  }
0x2c: {  	_ =	swait.ge [sflag:s16], $0x6400  }
0x2d: {  	[sflag:s16] =	ssyncset.done $0x0  }
0x2e: {  	s29 =	simm.s32 $0x2710;
	[sflag:s16] =	ssyncadd.s32 $0xFFFF9C00  }
0x2f: {  	[spmem:s2] =	stream.indirect.scatter.add.bf16 [tilespmem:s13], [sflag:$0x3], $0x40, s29, s12, $0xb8;
	[tilespmem:$0x1B260] =	vst v63  }
0x30: {  	_ =	swait.ge [sflag:s11], $0x6400  }
0x31: {  	[sflag:s11] =	ssyncset.done $0x0  }
0x32: {  	s30 =	simm.s32 $0x320;
	[sflag:s11] =	ssyncadd.s32 $0xFFFF9C00  }
0x33: {  	[tilespmem:s13], [sflag:$0x1] =	stream.indirect.gather [hbm4b:s4+s12], $0x40, s30, s12, $0xb8;
	[tilespmem:$0x1B260] =	vst v63  }
0x34: {  	_ =	swait.ge [sflag:s17], $0x6400  }
0x35: {  	[sflag:s17] =	ssyncset.done $0x0  }
0x36: {  	s31 =	simm.s32 $0x28A0;
	[sflag:s17] =	ssyncadd.s32 $0xFFFF9C00  }
0x37: {  	[spmem:s2] =	stream.indirect.scatter.add.bf16 [tilespmem:s15], [sflag:$0x3], $0x40, s31, s12, $0xb8;
	[tilespmem:$0x1B260] =	vst v63  }
0x38: {  	_ =	swait.ge [sflag:s11], $0x6400  }
0x39: {  	s23 =	simm.s32 $0x1900;
	s22 =	simm.s32 $0x320;
	[sflag:s11] =	ssyncset.done $0x0  }
.LBB2_4:
0x3a: {  	s24 =	sadd.s32 $0x190, s22  }
0x3b: {  	[sflag:s11] =	ssyncadd.s32 $0xFFFF9C00;
	s25 =	smov.u32 s23;
	s26 =	sadd.s32 $0xC80, s23  }
0x3c: {  	[tilespmem:s15], [sflag:$0x2] =	stream.indirect.gather [hbm4b:s4+s12], $0x40, s24, s12, $0xb8;
	[tilespmem:$0x1B260] =	vst v63  }
0x3d: {  	p0 =	sne.s32 s23, $0x8980;
	_ =	swait.ge [sflag:s16], $0x6400  }
0x3e: {  	[sflag:s16] =	ssyncset.done $0x0  }
0x3f: {  	s23 =	sadd.s32 $0x2710, s22;
	[sflag:s16] =	ssyncadd.s32 $0xFFFF9C00  }
0x40: {  	[spmem:s2] =	stream.indirect.scatter.add.bf16 [tilespmem:s13], [sflag:$0x3], $0x40, s23, s12, $0xb8;
	[tilespmem:$0x1B260] =	vst v63  }
0x41: {  	_ =	swait.ge [sflag:s11], $0x6400  }
0x42: {  	[sflag:s11] =	ssyncset.done $0x0  }
0x43: {  	s23 =	sadd.s32 $0x320, s22;
	[sflag:s11] =	ssyncadd.s32 $0xFFFF9C00  }
0x44: {  	[tilespmem:s13], [sflag:$0x1] =	stream.indirect.gather [hbm4b:s4+s12], $0x40, s23, s12, $0xb8;
	[tilespmem:$0x1B260] =	vst v63  }
0x45: {  	_ =	swait.ge [sflag:s17], $0x6400  }
.Ltmp1:
0x46: {  	[sflag:s17] =	ssyncset.done $0x0;
	(pc) =	sbr.rel @p0 .LBB2_4-.Ltmp1, $4  }
0x47: {  	s22 =	sadd.s32 $0x28A0, s22;
	[sflag:s17] =	ssyncadd.s32 $0xFFFF9C00  }
0x48: {  	[spmem:s2] =	stream.indirect.scatter.add.bf16 [tilespmem:s15], [sflag:$0x3], $0x40, s22, s12, $0xb8;
	[tilespmem:$0x1B260] =	vst v63  }
0x49: {  	_ =	swait.ge [sflag:s11], $0x6400  }
0x4a: {  	s23 =	smov.u32 s26;
	s22 =	sshra.s32 s25, $0x2;
	[sflag:s11] =	ssyncset.done $0x0  }
0x4b: {  	s23 =	sadd.s32 $0x190, s22;
	[sflag:s11] =	ssyncadd.s32 $0xFFFF9C00  }
0x4c: {  	[tilespmem:s15], [sflag:$0x2] =	stream.indirect.gather [hbm4b:s4+s12], $0x40, s23, s12, $0xb8;
	[tilespmem:$0x1B260] =	vst v63  }
0x4d: {  	_ =	swait.ge [sflag:s16], $0x6400  }
0x4e: {  	[sflag:s16] =	ssyncset.done $0x0  }
0x4f: {  	s29 =	sadd.s32 $0x2710, s22;
	[sflag:s16] =	ssyncadd.s32 $0xFFFF9C00  }
0x50: {  	[spmem:s2] =	stream.indirect.scatter.add.bf16 [tilespmem:s13], [sflag:$0x3], $0x40, s29, s12, $0xb8;
	[tilespmem:$0x1B260] =	vst v63  }
0x51: {  	_ =	swait.ge [sflag:s11], $0x6400  }
0x52: {  	[sflag:s11] =	ssyncset.done $0x0  }
0x53: {  	s30 =	sadd.s32 $0x320, s22;
	[sflag:s11] =	ssyncadd.s32 $0xFFFF9C00  }
0x54: {  	[tilespmem:s13], [sflag:$0x1] =	stream.indirect.gather [hbm4b:s4+s12], $0x40, s30, s12, $0xb8;
	[tilespmem:$0x1B260] =	vst v63  }
0x55: {  	_ =	swait.ge [sflag:s17], $0x6400  }
0x56: {  	[sflag:s17] =	ssyncset.done $0x0  }
0x57: {  	s31 =	sadd.s32 $0x28A0, s22;
	[sflag:s17] =	ssyncadd.s32 $0xFFFF9C00  }
0x58: {  	[spmem:s2] =	stream.indirect.scatter.add.bf16 [tilespmem:s15], [sflag:$0x3], $0x40, s31, s12, $0xb8;
	[tilespmem:$0x1B260] =	vst v63  }
0x59: {  	_ =	swait.ge [sflag:s11], $0x6400  }
0x5a: {  	[sflag:s11] =	ssyncset.done $0x0  }
0x5b: {  	[sflag:s11] =	ssyncadd.s32 $0xFFFF9C00  }
0x5c: {  	_ =	swait.ge [sflag:s16], $0x6400  }
0x5d: {  	[sflag:s16] =	ssyncset.done $0x0  }
0x5e: {  	[sflag:s16] =	ssyncadd.s32 $0xFFFF9C00  }
0x5f: {  	[spmem:s2] =	stream.indirect.scatter.add.bf16 [tilespmem:s13], [sflag:$0x3], $0x40, s18, s12, $0xb8;
	[tilespmem:$0x1B260] =	vst v63  }
0x60: {  	_ =	swait.ge [sflag:s11], $0x6400  }
0x61: {  	s21 =	sadd.s32 $0x1, s21;
	[sflag:s11] =	ssyncset.done $0x0  }
0x62: {  	p0 =	sne.s32 s21, s10;
	[sflag:s11] =	ssyncadd.s32 $0xFFFF9C00  }
.Ltmp2:
0x63: {  	[bflag:$0x0] =	sbarrier.arrive $0xFFFF;
	(pc) =	sbr.rel @p0 .LBB2_1-.Ltmp2, $4  }
0x64: {  	[hbm:s9], [sflag:s19] =	dma.local [spmem:s20], $0x1388  }
0x65: {  	_ =	swait.ge [sflag:s11], $0x1388  }
0x66: {  	[sflag:s11] =	ssyncset.done $0x0  }
0x67: {  	[sflag:s11] =	ssyncadd.s32 $0xFFFFEC78  }
0x68: {  	_ =	sfence.sel $0x180000  }
0x69: {  	[bflag:$0x0] =	sbarrier.arrive $0xFFFF  }
0x6a: {  	p0 =	sne.s32 s0, $0x0;
	_ =	strace $0x9000004A  }
0x6b: {  	s0 =	sadd.s32 @!p0 $0x100000, s1;
	[bflag:$0x2] =	sbarrier.arrive $0xFFFF  }
0x6c: {  	[sflag:s0] =	ssyncadd.tile.s32 @!p0 $0x1;
	_ =	shalt  }
.Lfunc_end2:
_tile_overlayer_lowered:
.L_overlay_start_2:
0x6d: {  	(tag) =	ssettag $0x2  }
0x6e: {  	s0 =	rddreg [dreg:$0x0];
	s2 =	stileid.u32  }
0x6f: {  	s1 =	rddreg [dreg:$0x1];
	p0 =	sne.s32 s2, $0x0  }
0x70: {  	s3 =	rddreg [dreg:$0x2];
	[bflag:$0x3] =	sbarrier.arrive $0xFFFF;
	s2 =	simm.s32 @!p0 $0x1C03  }
0x71: {  	[timem:s3], [sflag:s2] =	dma.local @!p0 [hbm:s0], s1  }
0x72: {  	s0 =	simm.s32 @!p0 $0x3  }
0x73: {  	_ =	swait.ge @!p0 [sflag:s0], s1  }
0x74: {  	s1 =	ssub.s32 @!p0 $0x0, s1;
	[sflag:s0] =	ssyncset.done @!p0 $0x0  }
0x75: {  	[sflag:s0] =	ssyncadd.s32 @!p0 s1  }
0x76: {  	[bflag:$0x3] =	sbarrier.arrive $0xFFFF  }
0x77: {  	_ =	shalt  }

// kernel: kernel.14.cloned.1.call-start
scs
__scs_entry_jumppad:
0x0: {  	(pc) =	sbr.rel $0x88, $3  }
0x1: {  	(tag) =	ssettag $0x0;
	lr =	simm.s32 $0x1  }
0x2: {  	[smem:$0x3F9B] =	sst lr;
	_ =	strace $0xD0000000  }
0x3: {  	_ = 	snop  }
0x4: {  	_ = 	snop  }
0x5: {  	_ = 	snop  }
0x6: {  	_ = 	snop  }
0x7: {  	_ = 	snop  }
__scs_overlays_trampoline_lowered:
0x8: {  	[smem:$0x3FAA] =	sst s0  }
0x9: {  	[smem:$0x3FAB] =	sst s1  }
0xa: {  	[smem:$0x3FAC] =	sst s2  }
0xb: {  	[smem:$0x3FAD] =	sst s3  }
0xc: {  	[smem:$0x3FAE] =	sst s4  }
0xd: {  	[smem:$0x3FAF] =	sst s5  }
0xe: {  	[smem:$0x3FB0] =	sst s6  }
0xf: {  	[smem:$0x3FB1] =	sst s7  }
0x10: {  	[smem:$0x3FB2] =	sst s8  }
0x11: {  	[smem:$0x3FB3] =	sst s9;
	s0 =	simm.s32 @!p0 $0x0  }
0x12: {  	s1 =	sld [smem:$0x3F99];
	s0 =	simm.s32 @p0 $0x1  }
0x13: {  	[smem:$0x3FB4] =	sst s0;
	s0 =	simm.s32 @!p1 $0x0  }
0x14: {  	s2 =	sld [smem:$0x3F98];
	s0 =	simm.s32 @p1 $0x1  }
0x15: {  	[smem:$0x3FB5] =	sst s0;
	s0 =	simm.s32 @!p2 $0x0  }
0x16: {  	s3 =	sld [smem:$0x3FDB];
	s0 =	simm.s32 @p2 $0x1  }
0x17: {  	s4 =	simm.s32 $0x1BF5;
	[smem:$0x3FB7] =	sst s0  }
0x18: {  	s0 =	sld [smem:$0x3F9A];
	_ =	swait.ge [sflag:s4], $0x0  }
0x19: {  	s7 =	sld [smem:$0x3F9B]  }
0x1a: {  	s8 =	sadd.s32 $0xFFFFE003, lr  }
0x1b: {  	s9 =	sadd.s32 $0xFFFFFEF7, lr;
	s5 =	simm.s32 $0xFFFFFFFF;
	p2 =	slt.u32 s8, $0xFFFFF086  }
0x1c: {  	p1 =	slt.u32 s9, $0xF7A;
	s5 =	simm.s32 @!p2 $0x0  }
0x1d: {  	s5 =	simm.s32 @p1 $0x1;
	p0 =	seq.s32 s7, s2  }
0x1e: {  	s7 =	smul.u32 @!p0 $0xF7A, s2;
	p2 =	seq.s32 @!p0 s5, $0x0  }
0x1f: {  	s9 =	smul.u32 $0xF7A, s1;
	s8 =	simm.s32 @!p0 $0x1BF5;
	p2 =	por !p2, p0  }
0x20: {  	[sflag:s8] =	ssyncset.s32 @!p0 $0xFFFFF086;
	s6 =	sadd.s32 @!p0 s3, s7;
	s7 =	simm.s32 @!p0 $0x108  }
0x21: {  	s3 =	sadd.s32 s3, s9;
	s6 =	sadd.s32 @!p0 $0x88, s6;
	s7 =	simm.s32 @p2 $0x1082  }
0x22: {  	[simem:s7], [sflag:s8] =	dma.local @!p0 [hbm:s6], $0xF7A  }
0x23: {  	s9 =	sor.u32 $0xD0000000, s2;
	s6 =	simm.s32 $0x108;
	_ =	swait.ge @!p0 [sflag:s8], $0x0  }
0x24: {  	s3 =	sadd.s32 $0x88, s3;
	s6 =	simm.s32 @!p1 $0x1082;
	[sflag:s4] =	ssyncset.s32 $0xFFFFF086  }
0x25: {  	[simem:s6], [sflag:s4] =	dma.local [hbm:s3], $0xF7A  }
0x26: {  	[smem:$0x3F9B] =	sst s1;
	(tag) =	ssettag s2;
	_ =	strace s9  }
0x27: {  	s1 =	sld [smem:$0x3FAB]  }
0x28: {  	s2 =	sld [smem:$0x3FAC]  }
0x29: {  	s4 =	sld [smem:$0x3FAE]  }
0x2a: {  	p0 =	seq.s32 s5, $0x0;
	s5 =	sld [smem:$0x3FAF]  }
0x2b: {  	s6 =	sld [smem:$0x3FB0]  }
0x2c: {  	s7 =	sld [smem:$0x3FB1]  }
0x2d: {  	s3 =	simm.s32 $0x108;
	s8 =	sld [smem:$0x3FB2]  }
0x2e: {  	s3 =	simm.s32 @!p0 $0x1082;
	s9 =	sld [smem:$0x3FB3]  }
0x2f: {  	lr =	sadd.s32 s0, s3;
	s0 =	sld [smem:$0x3FAA]  }
0x30: {  	s3 =	sld [smem:$0x3FAD]  }
0x31: {  	[smem:$0x3FB6] =	sst s10  }
0x32: {  	s10 =	sld [smem:$0x3FB4];
	_ =	sdelay $0x3  }
0x33: {  	p0 =	seq.s32 s10, $0x1;
	s10 =	sld [smem:$0x3FB6];
	_ =	sdelay $0x3  }
0x34: {  	[smem:$0x3FB6] =	sst s10  }
0x35: {  	s10 =	sld [smem:$0x3FB5];
	_ =	sdelay $0x3  }
0x36: {  	p1 =	seq.s32 s10, $0x1;
	s10 =	sld [smem:$0x3FB6];
	_ =	sdelay $0x3  }
0x37: {  	[smem:$0x3FB6] =	sst s10  }
0x38: {  	s10 =	sld [smem:$0x3FB7]  }
0x39: {  	_ = 	snop;
	(pc) =	sbr.ind lr, $3  }
0x3a: {  	_ = 	snop  }
0x3b: {  	_ = 	snop  }
0x3c: {  	p2 =	seq.s32 s10, $0x1;
	s10 =	sld [smem:$0x3FB6]  }
0x3d: {  	_ =	shalt  }
0x3e: {  	_ =	shalt  }
0x3f: {  	_ =	shalt  }
0x40: {  	_ =	shalt  }
0x41: {  	_ =	shalt  }
0x42: {  	_ =	shalt  }
0x43: {  	_ =	shalt  }
0x44: {  	_ =	shalt  }
0x45: {  	_ =	shalt  }
0x46: {  	_ =	shalt  }
0x47: {  	_ =	shalt  }
0x48: {  	_ =	shalt  }
0x49: {  	_ =	shalt  }
0x4a: {  	_ =	shalt  }
0x4b: {  	_ =	shalt  }
0x4c: {  	_ =	shalt  }
0x4d: {  	_ =	shalt  }
0x4e: {  	_ =	shalt  }
0x4f: {  	_ =	shalt  }
0x50: {  	_ =	shalt  }
0x51: {  	_ =	shalt  }
0x52: {  	_ =	shalt  }
0x53: {  	_ =	shalt  }
0x54: {  	_ =	shalt  }
0x55: {  	_ =	shalt  }
0x56: {  	_ =	shalt  }
0x57: {  	_ =	shalt  }
0x58: {  	_ =	shalt  }
0x59: {  	_ =	shalt  }
0x5a: {  	_ =	shalt  }
0x5b: {  	_ =	shalt  }
0x5c: {  	_ =	shalt  }
0x5d: {  	_ =	shalt  }
0x5e: {  	_ =	shalt  }
0x5f: {  	_ =	shalt  }
0x60: {  	_ =	shalt  }
0x61: {  	_ =	shalt  }
0x62: {  	_ =	shalt  }
0x63: {  	_ =	shalt  }
0x64: {  	_ =	shalt  }
0x65: {  	_ =	shalt  }
0x66: {  	_ =	shalt  }
0x67: {  	_ =	shalt  }
0x68: {  	_ =	shalt  }
0x69: {  	_ =	shalt  }
0x6a: {  	_ =	shalt  }
0x6b: {  	_ =	shalt  }
0x6c: {  	_ =	shalt  }
0x6d: {  	_ =	shalt  }
0x6e: {  	_ =	shalt  }
0x6f: {  	_ =	shalt  }
0x70: {  	_ =	shalt  }
0x71: {  	_ =	shalt  }
0x72: {  	_ =	shalt  }
0x73: {  	_ =	shalt  }
0x74: {  	_ =	shalt  }
0x75: {  	_ =	shalt  }
0x76: {  	_ =	shalt  }
0x77: {  	_ =	shalt  }
0x78: {  	_ =	shalt  }
0x79: {  	_ =	shalt  }
0x7a: {  	_ =	shalt  }
0x7b: {  	_ =	shalt  }
0x7c: {  	_ =	shalt  }
0x7d: {  	_ =	shalt  }
0x7e: {  	_ =	shalt  }
0x7f: {  	_ =	shalt  }
0x80: {  	_ =	shalt  }
0x81: {  	_ =	shalt  }
0x82: {  	_ =	shalt  }
0x83: {  	_ =	shalt  }
0x84: {  	_ =	shalt  }
0x85: {  	_ =	shalt  }
0x86: {  	_ =	shalt  }
0x87: {  	_ =	shalt  }
.Lfunc_end0:
.L_simem_size_0:
called_computation.2_lowered:
.L_overlay_start_0:
0x88: {  	s2 =	sld [smem:$0x3FD9]  }
0x89: {  	s3 =	sld [smem:$0x3FFE];
	_ =	sdelay $0x1  }
0x8a: {  	s1 =	srdreg.scid  }
0x8b: {  	s0 =	sand.u32 $0x1, s1  }
0x8c: {  	s17 =	sshll.u32 s0, $0xA;
	s2 =	sadd.s32 s3, s2  }
0x8d: {  	s2 =	sadd.s32 s2, s17  }
0x8e: {  	[smem:$0x3FC2] =	sst s2  }
0x8f: {  	_ = 	snop  }
0x90: {  	s2 =	sld [smem:$0x3FD0];
	(tm) =	ssettm $0x1  }
0x91: {  	s18 =	sld [smem:$0x3FFB];
	_ =	sdelay $0x3  }
0x92: {  	_ =	strace s18  }
0x93: {  	s3 =	sld [smem:$0x3FFC];
	_ =	sdelay $0x3  }
0x94: {  	_ =	strace s3  }
0x95: {  	s3 =	sld [smem:$0x3FFD];
	_ =	sdelay $0x3  }
0x96: {  	_ =	strace s3  }
0x97: {  	_ =	strace $0x8FFFFFFF  }
0x98: {  	s19 =	sld [smem:$0x3FDB];
	_ =	sdelay $0x1  }
0x99: {  	s4 =	simm.s32 $_scs_section_size  }
0x9a: {  	s5 =	simm.s32 $_size__tile_overlayer_lowered;
	s6 =	simm.s32 $_tile_overlayer_lowered  }
0x9b: {  	s22 =	simm.s32 $0x1BFF;
	s21 =	sshll.u32 s6, $0x1;
	s3 =	sadd.s32 s4, s19  }
0x9c: {  	s7 =	simm.s32 $0x0;
	s20 =	sshll.u32 s5, $0x1;
	s5 =	sadd.s32 s21, s3  }
0x9d: {  	[timem:s7], [sflag:s22] =	dma.local [hbm:s5], s20  }
0x9e: {  	_ =	swait.ge [sflag:s22], s20  }
0x9f: {  	s4 =	ssub.s32 $0x0, s20;
	[sflag:s22] =	ssyncset.done $0x0  }
0xa0: {  	[sflag:s22] =	ssyncadd.s32 s4;
	_ =	sdelay $0x1  }
0xa1: {  	s23 =	simm.s32 $0x1B8B  }
0xa2: {  	_ =	swait.ge [sflag:s23], $0x1  }
0xa3: {  	[sflag:s23] =	ssyncset.done $0x0  }
0xa4: {  	s25 =	simm.s32 $0x1B8E;
	s24 =	sld [smem:$0x3FFE];
	[sflag:s23] =	ssyncadd.s32 $0xFFFFFFFF  }
0xa5: {  	s26 =	simm.s32 $execute0_lowered;
	[smem:$0x3FD2] =	sst s25  }
0xa6: {  	s5 =	sshll.u32 s26, $0x1;
	_ =	strace $0x8000004C;
	[dreg:$0x1] =	wrdreg $0xFFFFFFFF  }
0xa7: {  	s28 =	simm.s32 $_size_execute0_lowered;
	s3 =	sadd.s32 s3, s5;
	[dreg:$0x0] =	wrdreg $0x0  }
0xa8: {  	s5 =	sshll.u32 s28, $0x1;
	[dreg:$0x2] =	wrdreg s3  }
0xa9: {  	[dreg:$0x3] =	wrdreg s5  }
0xaa: {  	[dreg:$0x4] =	wrdreg $0xC0  }
0xab: {  	_ =	task [dreg:s7], $0x5FFFF  }
0xac: {  	[dreg:$0x1] =	wrdreg $0xFFFFFFFF  }
0xad: {  	[dreg:$0x0] =	wrdreg $0x60  }
0xae: {  	[dreg:$0x2] =	wrdreg s24  }
0xaf: {  	[dreg:$0x3] =	wrdreg s2  }
0xb0: {  	[dreg:$0x4] =	wrdreg $0x116200  }
0xb1: {  	[dreg:$0x5] =	wrdreg $0x9  }
0xb2: {  	_ =	task.clear_ibuf [dreg:s7], $0x6FFFF;
	_ =	strace $0x9000004C  }
0xb3: {  	s29 =	simm.s32 $0x9;
	_ =	strace $0x8000004E  }
0xb4: {  	_ =	swait.ge [sflag:s29], $0x1  }
0xb5: {  	[sflag:s29] =	ssyncadd.s32 $0xFFFFFFFF  }
0xb6: {  	_ =	strace $0x9000004E  }
0xb7: {  	_ =	sfence  }
0xb8: {  	s30 =	sld [smem:$0x0];
	_ =	sdelay $0x2  }
0xb9: {  	s31 =	sshll.u32 s1, $0xD;
	s1 =	sshrl.u32 s1, $0x2  }
0xba: {  	s3 =	sand.u32 $0x4000, s31;
	s1 =	sadd.s32 s1, s30  }
0xbb: {  	s0 =	sor.u32 s3, s0;
	s1 =	sshll.u32 s1, $0x11  }
0xbc: {  	s0 =	sor.u32 s1, s0  }
0xbd: {  	s0 =	sadd.s32 $0x8F2B, s0  }
0xbe: {  	[sflag:s0] =	ssyncadd.remote.s32 $0x1  }
0xbf: {  	_ =	sfence.sel $0xFFFF  }
0xc0: {  	[dreg:$0x0] =	wrdreg $0xFFFFFFFF;
	(pc) =	sbr.abs _section_cstart, $3  }
0xc1: {  	[dreg:$0x1] =	wrdreg $0xFFFFFFFF  }
0xc2: {  	_ =	task.clear_ibuf [dreg:s7], $0x2FFFF;
	_ =	strace $0x9FFFFFFF  }
0xc3: {  	(tm) =	ssettm $0x7FFFFFFF  }
tec
execute0_lowered:
.L_overlay_start_1:
0x0: {  	(tag) =	ssettag $0x1  }
0x1: {  	s5 =	rddreg [dreg:$0x0]  }
0x2: {  	s9 =	rddreg [dreg:$0x1];
	s1 =	srdreg.scid  }
0x3: {  	s0 =	stileid.u32;
	s2 =	rddreg [dreg:$0x2];
	s3 =	simm.s32 $0x0  }
0x4: {  	s13 =	simm.s32 $0x4E20;
	s14 =	simm.s32 $0x2710;
	s15 =	simm.s32 $0xB220  }
0x5: {  	s16 =	simm.s32 $0x1;
	s17 =	simm.s32 $0x2;
	s18 =	simm.s32 $0x4C90  }
0x6: {  	s21 =	simm.s32 $0x0;
	s6 =	sand.u32 $0x1, s1;
	s1 =	rddreg [dreg:$0x3]  }
0x7: {  	s4 =	sshll.u32 s0, $0x1;
	[smem:$0x7FF] =	sst s3;
	s8 =	smul.u32 $0x13880, s0  }
0x8: {  	s11 =	smul.u32 $0x27100, s0;
	s19 =	sshll.u32 s0, $0x6;
	s4 =	sor.u32 s6, s4  }
0x9: {  	_ =	strace $0x8000004D;
	s10 =	ssub.s32 $0x2, s6;
	s12 =	smul.u32 $0x138800, s6  }
0xa: {  	s19 =	sor.u32 $0x1C03, s19;
	s7 =	smul.u32 $0x2710, s4;
	s4 =	sadd.s32 $0x15800, s5  }
0xb: {  	s30 =	sshrl.u32 s10, $0x1;
	s31 =	sshrl.u32 s8, $0x1;
	s11 =	sshrl.u32 s11, $0x2  }
0xc: {  	s10 =	ssub.s32 s10, s30;
	s8 =	sadd.s32 s8, s12;
	s11 =	sadd.s32 s11, s2  }
0xd: {  	s7 =	sshrl.u32 s7, $0x3;
	s12 =	sshrl.u32 s8, $0x4;
	s8 =	sadd.s32 $0x6400, s11  }
0xe: {  	s10 =	smax.u32 s10, $0x1;
	s11 =	simm.s32 $0x3;
	s7 =	sadd.s32 s7, s5  }
0xf: {  	s5 =	sadd.s32 $0x1E00, s7;
	s6 =	sadd.s32 $0xBA40, s7;
	s7 =	sadd.s32 s31, s2  }
0x10: {  	v0 =	vimm.bf16 $0.0e+00;
	s9 =	sadd.s32 s9, s12;
	s12 =	simm.s32 $0x190;
	s20 =	sshrl.u32 s7, $0x3  }
.LBB2_1:
0x11: {  	[tilespmem:s3], [sflag:$0x3] =	stream.linear.gather [hbm4b:s5+s3], $0x2710, $0x38;
	[tilespmem:$0x1B260] =	vst v63  }
0x12: {  	_ =	swait.ge [sflag:s11], $0x2710  }
0x13: {  	[sflag:s11] =	ssyncset.done $0x0  }
0x14: {  	[sflag:s11] =	ssyncadd.s32 $0xFFFFD8F0  }
0x15: {  	[tilespmem:s13], [sflag:$0x1] =	stream.indirect.gather [hbm4b:s4+s12], $0x40, s3, s12, $0xb8;
	[tilespmem:$0x1B260] =	vst v63  }
0x16: {  	_ = 	snop  }
0x17: {  	[tilespmem:s14], [sflag:$0x3] =	stream.linear.gather [hbm4b:s6+s3], $0x2710, $0x38;
	[tilespmem:$0x1B260] =	vst v63  }
0x18: {  	s22 =	sand.u32 $0x1FF00, s3;
	s23 =	sand.u32 $0x60, s3;
	_ =	swait.ge [sflag:s11], $0x2710  }
0x19: {  	s22 =	sshrl.u32 s22, $0x2;
	s23 =	sshrl.u32 s23, $0x1;
	[sflag:s11] =	ssyncset.done $0x0  }
0x1a: {  	s23 =	sor.u32 s23, s22;
	[sflag:s11] =	ssyncadd.s32 $0xFFFFD8F0  }
0x1b: {  	s22 =	simm.s32 $0x40;
	[tilespmem:s23+$0xB220] =	vst v0;
	s23 =	simm.s32 $0x0  }
.LBB2_2:
0x1c: {  	p0 =	sne.s32 s22, $0x18FC0  }
.Ltmp0:
0x1d: {  	s24 =	sand.u32 $0x1FF00, s22;
	s23 =	sadd.s32 $0x20, s23;
	(pc) =	sbr.rel @p0 .LBB2_2-.Ltmp0, $4  }
0x1e: {  	s22 =	sadd.s32 $0x40, s22;
	s25 =	sand.u32 $0x60, s23  }
0x1f: {  	s24 =	sshrl.u32 s24, $0x2;
	s25 =	sshrl.u32 s25, $0x1  }
0x20: {  	s24 =	sor.u32 s25, s24  }
0x21: {  	[tilespmem:s24+$0xB220] =	vst v0  }
0x22: {  	[spmem:s7] =	stream.linear.scatter [tilespmem:s15], [sflag:$0x3], $0x6400, $0x38;
	[tilespmem:$0x1B260] =	vst v63  }
0x23: {  	_ =	swait.ge [sflag:s11], $0x6400  }
0x24: {  	[sflag:s11] =	ssyncset.done $0x0  }
0x25: {  	[sflag:s11] =	ssyncadd.s32 $0xFFFF9C00  }
0x26: {  	[spmem:s8] =	stream.linear.scatter [tilespmem:s15], [sflag:$0x3], $0x3840, $0x38;
	[tilespmem:$0x1B260] =	vst v63  }
0x27: {  	_ =	swait.ge [sflag:s11], $0x3840  }
0x28: {  	[sflag:s11] =	ssyncset.done $0x0  }
0x29: {  	[sflag:s11] =	ssyncadd.s32 $0xFFFFC7C0  }
0x2a: {  	s22 =	simm.s32 $0x190;
	[bflag:$0x0] =	sbarrier.arrive $0xFFFF  }
0x2b: {  	[tilespmem:s15], [sflag:$0x2] =	stream.indirect.gather [hbm4b:s4+s12], $0x40, s22, s12, $0xb8;
	[tilespmem:$0x1B260] =	vst v63  }
0x2c: {  	_ =	swait.ge [sflag:s16], $0x6400  }
0x2d: {  	[sflag:s16] =	ssyncset.done $0x0  }
0x2e: {  	s29 =	simm.s32 $0x2710;
	[sflag:s16] =	ssyncadd.s32 $0xFFFF9C00  }
0x2f: {  	[spmem:s2] =	stream.indirect.scatter.add.bf16 [tilespmem:s13], [sflag:$0x3], $0x40, s29, s12, $0xb8;
	[tilespmem:$0x1B260] =	vst v63  }
0x30: {  	_ =	swait.ge [sflag:s11], $0x6400  }
0x31: {  	[sflag:s11] =	ssyncset.done $0x0  }
0x32: {  	s30 =	simm.s32 $0x320;
	[sflag:s11] =	ssyncadd.s32 $0xFFFF9C00  }
0x33: {  	[tilespmem:s13], [sflag:$0x1] =	stream.indirect.gather [hbm4b:s4+s12], $0x40, s30, s12, $0xb8;
	[tilespmem:$0x1B260] =	vst v63  }
0x34: {  	_ =	swait.ge [sflag:s17], $0x6400  }
0x35: {  	[sflag:s17] =	ssyncset.done $0x0  }
0x36: {  	s31 =	simm.s32 $0x28A0;
	[sflag:s17] =	ssyncadd.s32 $0xFFFF9C00  }
0x37: {  	[spmem:s2] =	stream.indirect.scatter.add.bf16 [tilespmem:s15], [sflag:$0x3], $0x40, s31, s12, $0xb8;
	[tilespmem:$0x1B260] =	vst v63  }
0x38: {  	_ =	swait.ge [sflag:s11], $0x6400  }
0x39: {  	s23 =	simm.s32 $0x1900;
	s22 =	simm.s32 $0x320;
	[sflag:s11] =	ssyncset.done $0x0  }
.LBB2_4:
0x3a: {  	s24 =	sadd.s32 $0x190, s22  }
0x3b: {  	[sflag:s11] =	ssyncadd.s32 $0xFFFF9C00;
	s25 =	smov.u32 s23;
	s26 =	sadd.s32 $0xC80, s23  }
0x3c: {  	[tilespmem:s15], [sflag:$0x2] =	stream.indirect.gather [hbm4b:s4+s12], $0x40, s24, s12, $0xb8;
	[tilespmem:$0x1B260] =	vst v63  }
0x3d: {  	p0 =	sne.s32 s23, $0x8980;
	_ =	swait.ge [sflag:s16], $0x6400  }
0x3e: {  	[sflag:s16] =	ssyncset.done $0x0  }
0x3f: {  	s23 =	sadd.s32 $0x2710, s22;
	[sflag:s16] =	ssyncadd.s32 $0xFFFF9C00  }
0x40: {  	[spmem:s2] =	stream.indirect.scatter.add.bf16 [tilespmem:s13], [sflag:$0x3], $0x40, s23, s12, $0xb8;
	[tilespmem:$0x1B260] =	vst v63  }
0x41: {  	_ =	swait.ge [sflag:s11], $0x6400  }
0x42: {  	[sflag:s11] =	ssyncset.done $0x0  }
0x43: {  	s23 =	sadd.s32 $0x320, s22;
	[sflag:s11] =	ssyncadd.s32 $0xFFFF9C00  }
0x44: {  	[tilespmem:s13], [sflag:$0x1] =	stream.indirect.gather [hbm4b:s4+s12], $0x40, s23, s12, $0xb8;
	[tilespmem:$0x1B260] =	vst v63  }
0x45: {  	_ =	swait.ge [sflag:s17], $0x6400  }
.Ltmp1:
0x46: {  	[sflag:s17] =	ssyncset.done $0x0;
	(pc) =	sbr.rel @p0 .LBB2_4-.Ltmp1, $4  }
0x47: {  	s22 =	sadd.s32 $0x28A0, s22;
	[sflag:s17] =	ssyncadd.s32 $0xFFFF9C00  }
0x48: {  	[spmem:s2] =	stream.indirect.scatter.add.bf16 [tilespmem:s15], [sflag:$0x3], $0x40, s22, s12, $0xb8;
	[tilespmem:$0x1B260] =	vst v63  }
0x49: {  	_ =	swait.ge [sflag:s11], $0x6400  }
0x4a: {  	s23 =	smov.u32 s26;
	s22 =	sshra.s32 s25, $0x2;
	[sflag:s11] =	ssyncset.done $0x0  }
0x4b: {  	s23 =	sadd.s32 $0x190, s22;
	[sflag:s11] =	ssyncadd.s32 $0xFFFF9C00  }
0x4c: {  	[tilespmem:s15], [sflag:$0x2] =	stream.indirect.gather [hbm4b:s4+s12], $0x40, s23, s12, $0xb8;
	[tilespmem:$0x1B260] =	vst v63  }
0x4d: {  	_ =	swait.ge [sflag:s16], $0x6400  }
0x4e: {  	[sflag:s16] =	ssyncset.done $0x0  }
0x4f: {  	s29 =	sadd.s32 $0x2710, s22;
	[sflag:s16] =	ssyncadd.s32 $0xFFFF9C00  }
0x50: {  	[spmem:s2] =	stream.indirect.scatter.add.bf16 [tilespmem:s13], [sflag:$0x3], $0x40, s29, s12, $0xb8;
	[tilespmem:$0x1B260] =	vst v63  }
0x51: {  	_ =	swait.ge [sflag:s11], $0x6400  }
0x52: {  	[sflag:s11] =	ssyncset.done $0x0  }
0x53: {  	s30 =	sadd.s32 $0x320, s22;
	[sflag:s11] =	ssyncadd.s32 $0xFFFF9C00  }
0x54: {  	[tilespmem:s13], [sflag:$0x1] =	stream.indirect.gather [hbm4b:s4+s12], $0x40, s30, s12, $0xb8;
	[tilespmem:$0x1B260] =	vst v63  }
0x55: {  	_ =	swait.ge [sflag:s17], $0x6400  }
0x56: {  	[sflag:s17] =	ssyncset.done $0x0  }
0x57: {  	s31 =	sadd.s32 $0x28A0, s22;
	[sflag:s17] =	ssyncadd.s32 $0xFFFF9C00  }
0x58: {  	[spmem:s2] =	stream.indirect.scatter.add.bf16 [tilespmem:s15], [sflag:$0x3], $0x40, s31, s12, $0xb8;
	[tilespmem:$0x1B260] =	vst v63  }
0x59: {  	_ =	swait.ge [sflag:s11], $0x6400  }
0x5a: {  	[sflag:s11] =	ssyncset.done $0x0  }
0x5b: {  	[sflag:s11] =	ssyncadd.s32 $0xFFFF9C00  }
0x5c: {  	_ =	swait.ge [sflag:s16], $0x6400  }
0x5d: {  	[sflag:s16] =	ssyncset.done $0x0  }
0x5e: {  	[sflag:s16] =	ssyncadd.s32 $0xFFFF9C00  }
0x5f: {  	[spmem:s2] =	stream.indirect.scatter.add.bf16 [tilespmem:s13], [sflag:$0x3], $0x40, s18, s12, $0xb8;
	[tilespmem:$0x1B260] =	vst v63  }
0x60: {  	_ =	swait.ge [sflag:s11], $0x6400  }
0x61: {  	s21 =	sadd.s32 $0x1, s21;
	[sflag:s11] =	ssyncset.done $0x0  }
0x62: {  	p0 =	sne.s32 s21, s10;
	[sflag:s11] =	ssyncadd.s32 $0xFFFF9C00  }
.Ltmp2:
0x63: {  	[bflag:$0x0] =	sbarrier.arrive $0xFFFF;
	(pc) =	sbr.rel @p0 .LBB2_1-.Ltmp2, $4  }
0x64: {  	[hbm:s9], [sflag:s19] =	dma.local [spmem:s20], $0x1388  }
0x65: {  	_ =	swait.ge [sflag:s11], $0x1388  }
0x66: {  	[sflag:s11] =	ssyncset.done $0x0  }
0x67: {  	[sflag:s11] =	ssyncadd.s32 $0xFFFFEC78  }
0x68: {  	_ =	sfence.sel $0x180000  }
0x69: {  	[bflag:$0x0] =	sbarrier.arrive $0xFFFF  }
0x6a: {  	p0 =	sne.s32 s0, $0x0;
	_ =	strace $0x9000004D  }
0x6b: {  	s0 =	sadd.s32 @!p0 $0x100000, s1;
	[bflag:$0x2] =	sbarrier.arrive $0xFFFF  }
0x6c: {  	[sflag:s0] =	ssyncadd.tile.s32 @!p0 $0x1;
	_ =	shalt  }
.Lfunc_end2:
_tile_overlayer_lowered:
.L_overlay_start_2:
0x6d: {  	(tag) =	ssettag $0x2  }
0x6e: {  	s0 =	rddreg [dreg:$0x0];
	s2 =	stileid.u32  }
0x6f: {  	s1 =	rddreg [dreg:$0x1];
	p0 =	sne.s32 s2, $0x0  }
0x70: {  	s3 =	rddreg [dreg:$0x2];
	[bflag:$0x3] =	sbarrier.arrive $0xFFFF;
	s2 =	simm.s32 @!p0 $0x1C03  }
0x71: {  	[timem:s3], [sflag:s2] =	dma.local @!p0 [hbm:s0], s1  }
0x72: {  	s0 =	simm.s32 @!p0 $0x3  }
0x73: {  	_ =	swait.ge @!p0 [sflag:s0], s1  }
0x74: {  	s1 =	ssub.s32 @!p0 $0x0, s1;
	[sflag:s0] =	ssyncset.done @!p0 $0x0  }
0x75: {  	[sflag:s0] =	ssyncadd.s32 @!p0 s1  }
0x76: {  	[bflag:$0x3] =	sbarrier.arrive $0xFFFF  }
0x77: {  	_ =	shalt  }

// kernel: kernel.8.cloned.1.call-start
scs
__scs_entry_jumppad:
0x0: {  	(pc) =	sbr.rel $0x88, $3  }
0x1: {  	(tag) =	ssettag $0x0;
	lr =	simm.s32 $0x1  }
0x2: {  	[smem:$0x3F9B] =	sst lr;
	_ =	strace $0xD0000000  }
0x3: {  	_ = 	snop  }
0x4: {  	_ = 	snop  }
0x5: {  	_ = 	snop  }
0x6: {  	_ = 	snop  }
0x7: {  	_ = 	snop  }
__scs_overlays_trampoline_lowered:
0x8: {  	[smem:$0x3FAA] =	sst s0  }
0x9: {  	[smem:$0x3FAB] =	sst s1  }
0xa: {  	[smem:$0x3FAC] =	sst s2  }
0xb: {  	[smem:$0x3FAD] =	sst s3  }
0xc: {  	[smem:$0x3FAE] =	sst s4  }
0xd: {  	[smem:$0x3FAF] =	sst s5  }
0xe: {  	[smem:$0x3FB0] =	sst s6  }
0xf: {  	[smem:$0x3FB1] =	sst s7  }
0x10: {  	[smem:$0x3FB2] =	sst s8  }
0x11: {  	[smem:$0x3FB3] =	sst s9;
	s0 =	simm.s32 @!p0 $0x0  }
0x12: {  	s1 =	sld [smem:$0x3F99];
	s0 =	simm.s32 @p0 $0x1  }
0x13: {  	[smem:$0x3FB4] =	sst s0;
	s0 =	simm.s32 @!p1 $0x0  }
0x14: {  	s2 =	sld [smem:$0x3F98];
	s0 =	simm.s32 @p1 $0x1  }
0x15: {  	[smem:$0x3FB5] =	sst s0;
	s0 =	simm.s32 @!p2 $0x0  }
0x16: {  	s3 =	sld [smem:$0x3FDB];
	s0 =	simm.s32 @p2 $0x1  }
0x17: {  	s4 =	simm.s32 $0x1BF5;
	[smem:$0x3FB7] =	sst s0  }
0x18: {  	s0 =	sld [smem:$0x3F9A];
	_ =	swait.ge [sflag:s4], $0x0  }
0x19: {  	s7 =	sld [smem:$0x3F9B]  }
0x1a: {  	s8 =	sadd.s32 $0xFFFFE003, lr  }
0x1b: {  	s9 =	sadd.s32 $0xFFFFFEF7, lr;
	s5 =	simm.s32 $0xFFFFFFFF;
	p2 =	slt.u32 s8, $0xFFFFF086  }
0x1c: {  	p1 =	slt.u32 s9, $0xF7A;
	s5 =	simm.s32 @!p2 $0x0  }
0x1d: {  	s5 =	simm.s32 @p1 $0x1;
	p0 =	seq.s32 s7, s2  }
0x1e: {  	s7 =	smul.u32 @!p0 $0xF7A, s2;
	p2 =	seq.s32 @!p0 s5, $0x0  }
0x1f: {  	s9 =	smul.u32 $0xF7A, s1;
	s8 =	simm.s32 @!p0 $0x1BF5;
	p2 =	por !p2, p0  }
0x20: {  	[sflag:s8] =	ssyncset.s32 @!p0 $0xFFFFF086;
	s6 =	sadd.s32 @!p0 s3, s7;
	s7 =	simm.s32 @!p0 $0x108  }
0x21: {  	s3 =	sadd.s32 s3, s9;
	s6 =	sadd.s32 @!p0 $0x88, s6;
	s7 =	simm.s32 @p2 $0x1082  }
0x22: {  	[simem:s7], [sflag:s8] =	dma.local @!p0 [hbm:s6], $0xF7A  }
0x23: {  	s9 =	sor.u32 $0xD0000000, s2;
	s6 =	simm.s32 $0x108;
	_ =	swait.ge @!p0 [sflag:s8], $0x0  }
0x24: {  	s3 =	sadd.s32 $0x88, s3;
	s6 =	simm.s32 @!p1 $0x1082;
	[sflag:s4] =	ssyncset.s32 $0xFFFFF086  }
0x25: {  	[simem:s6], [sflag:s4] =	dma.local [hbm:s3], $0xF7A  }
0x26: {  	[smem:$0x3F9B] =	sst s1;
	(tag) =	ssettag s2;
	_ =	strace s9  }
0x27: {  	s1 =	sld [smem:$0x3FAB]  }
0x28: {  	s2 =	sld [smem:$0x3FAC]  }
0x29: {  	s4 =	sld [smem:$0x3FAE]  }
0x2a: {  	p0 =	seq.s32 s5, $0x0;
	s5 =	sld [smem:$0x3FAF]  }
0x2b: {  	s6 =	sld [smem:$0x3FB0]  }
0x2c: {  	s7 =	sld [smem:$0x3FB1]  }
0x2d: {  	s3 =	simm.s32 $0x108;
	s8 =	sld [smem:$0x3FB2]  }
0x2e: {  	s3 =	simm.s32 @!p0 $0x1082;
	s9 =	sld [smem:$0x3FB3]  }
0x2f: {  	lr =	sadd.s32 s0, s3;
	s0 =	sld [smem:$0x3FAA]  }
0x30: {  	s3 =	sld [smem:$0x3FAD]  }
0x31: {  	[smem:$0x3FB6] =	sst s10  }
0x32: {  	s10 =	sld [smem:$0x3FB4];
	_ =	sdelay $0x3  }
0x33: {  	p0 =	seq.s32 s10, $0x1;
	s10 =	sld [smem:$0x3FB6];
	_ =	sdelay $0x3  }
0x34: {  	[smem:$0x3FB6] =	sst s10  }
0x35: {  	s10 =	sld [smem:$0x3FB5];
	_ =	sdelay $0x3  }
0x36: {  	p1 =	seq.s32 s10, $0x1;
	s10 =	sld [smem:$0x3FB6];
	_ =	sdelay $0x3  }
0x37: {  	[smem:$0x3FB6] =	sst s10  }
0x38: {  	s10 =	sld [smem:$0x3FB7]  }
0x39: {  	_ = 	snop;
	(pc) =	sbr.ind lr, $3  }
0x3a: {  	_ = 	snop  }
0x3b: {  	_ = 	snop  }
0x3c: {  	p2 =	seq.s32 s10, $0x1;
	s10 =	sld [smem:$0x3FB6]  }
0x3d: {  	_ =	shalt  }
0x3e: {  	_ =	shalt  }
0x3f: {  	_ =	shalt  }
0x40: {  	_ =	shalt  }
0x41: {  	_ =	shalt  }
0x42: {  	_ =	shalt  }
0x43: {  	_ =	shalt  }
0x44: {  	_ =	shalt  }
0x45: {  	_ =	shalt  }
0x46: {  	_ =	shalt  }
0x47: {  	_ =	shalt  }
0x48: {  	_ =	shalt  }
0x49: {  	_ =	shalt  }
0x4a: {  	_ =	shalt  }
0x4b: {  	_ =	shalt  }
0x4c: {  	_ =	shalt  }
0x4d: {  	_ =	shalt  }
0x4e: {  	_ =	shalt  }
0x4f: {  	_ =	shalt  }
0x50: {  	_ =	shalt  }
0x51: {  	_ =	shalt  }
0x52: {  	_ =	shalt  }
0x53: {  	_ =	shalt  }
0x54: {  	_ =	shalt  }
0x55: {  	_ =	shalt  }
0x56: {  	_ =	shalt  }
0x57: {  	_ =	shalt  }
0x58: {  	_ =	shalt  }
0x59: {  	_ =	shalt  }
0x5a: {  	_ =	shalt  }
0x5b: {  	_ =	shalt  }
0x5c: {  	_ =	shalt  }
0x5d: {  	_ =	shalt  }
0x5e: {  	_ =	shalt  }
0x5f: {  	_ =	shalt  }
0x60: {  	_ =	shalt  }
0x61: {  	_ =	shalt  }
0x62: {  	_ =	shalt  }
0x63: {  	_ =	shalt  }
0x64: {  	_ =	shalt  }
0x65: {  	_ =	shalt  }
0x66: {  	_ =	shalt  }
0x67: {  	_ =	shalt  }
0x68: {  	_ =	shalt  }
0x69: {  	_ =	shalt  }
0x6a: {  	_ =	shalt  }
0x6b: {  	_ =	shalt  }
0x6c: {  	_ =	shalt  }
0x6d: {  	_ =	shalt  }
0x6e: {  	_ =	shalt  }
0x6f: {  	_ =	shalt  }
0x70: {  	_ =	shalt  }
0x71: {  	_ =	shalt  }
0x72: {  	_ =	shalt  }
0x73: {  	_ =	shalt  }
0x74: {  	_ =	shalt  }
0x75: {  	_ =	shalt  }
0x76: {  	_ =	shalt  }
0x77: {  	_ =	shalt  }
0x78: {  	_ =	shalt  }
0x79: {  	_ =	shalt  }
0x7a: {  	_ =	shalt  }
0x7b: {  	_ =	shalt  }
0x7c: {  	_ =	shalt  }
0x7d: {  	_ =	shalt  }
0x7e: {  	_ =	shalt  }
0x7f: {  	_ =	shalt  }
0x80: {  	_ =	shalt  }
0x81: {  	_ =	shalt  }
0x82: {  	_ =	shalt  }
0x83: {  	_ =	shalt  }
0x84: {  	_ =	shalt  }
0x85: {  	_ =	shalt  }
0x86: {  	_ =	shalt  }
0x87: {  	_ =	shalt  }
.Lfunc_end0:
.L_simem_size_0:
called_computation_lowered:
.L_overlay_start_0:
0x88: {  	s2 =	sld [smem:$0x3FD9]  }
0x89: {  	s3 =	sld [smem:$0x3FFE];
	_ =	sdelay $0x1  }
0x8a: {  	s1 =	srdreg.scid  }
0x8b: {  	s0 =	sand.u32 $0x1, s1  }
0x8c: {  	s17 =	sshll.u32 s0, $0xA;
	s2 =	sadd.s32 s3, s2  }
0x8d: {  	s2 =	sadd.s32 s2, s17  }
0x8e: {  	[smem:$0x3FC2] =	sst s2  }
0x8f: {  	_ = 	snop  }
0x90: {  	s2 =	sld [smem:$0x3FD0];
	(tm) =	ssettm $0x1  }
0x91: {  	s18 =	sld [smem:$0x3FFB];
	_ =	sdelay $0x3  }
0x92: {  	_ =	strace s18  }
0x93: {  	s3 =	sld [smem:$0x3FFC];
	_ =	sdelay $0x3  }
0x94: {  	_ =	strace s3  }
0x95: {  	s3 =	sld [smem:$0x3FFD];
	_ =	sdelay $0x3  }
0x96: {  	_ =	strace s3  }
0x97: {  	_ =	strace $0x8FFFFFFF  }
0x98: {  	s19 =	sld [smem:$0x3FDB];
	_ =	sdelay $0x1  }
0x99: {  	s4 =	simm.s32 $_scs_section_size  }
0x9a: {  	s5 =	simm.s32 $_size__tile_overlayer_lowered;
	s6 =	simm.s32 $_tile_overlayer_lowered  }
0x9b: {  	s22 =	simm.s32 $0x1BFF;
	s21 =	sshll.u32 s6, $0x1;
	s3 =	sadd.s32 s4, s19  }
0x9c: {  	s7 =	simm.s32 $0x0;
	s20 =	sshll.u32 s5, $0x1;
	s5 =	sadd.s32 s21, s3  }
0x9d: {  	[timem:s7], [sflag:s22] =	dma.local [hbm:s5], s20  }
0x9e: {  	_ =	swait.ge [sflag:s22], s20  }
0x9f: {  	s4 =	ssub.s32 $0x0, s20;
	[sflag:s22] =	ssyncset.done $0x0  }
0xa0: {  	[sflag:s22] =	ssyncadd.s32 s4;
	_ =	sdelay $0x1  }
0xa1: {  	s23 =	simm.s32 $0x1B8B  }
0xa2: {  	_ =	swait.ge [sflag:s23], $0x1  }
0xa3: {  	[sflag:s23] =	ssyncset.done $0x0  }
0xa4: {  	s25 =	simm.s32 $0x1B8E;
	s24 =	sld [smem:$0x3FFE];
	[sflag:s23] =	ssyncadd.s32 $0xFFFFFFFF  }
0xa5: {  	s26 =	simm.s32 $execute0_lowered;
	[smem:$0x3FD2] =	sst s25  }
0xa6: {  	s5 =	sshll.u32 s26, $0x1;
	_ =	strace $0x80000046;
	[dreg:$0x1] =	wrdreg $0xFFFFFFFF  }
0xa7: {  	s28 =	simm.s32 $_size_execute0_lowered;
	s3 =	sadd.s32 s3, s5;
	[dreg:$0x0] =	wrdreg $0x0  }
0xa8: {  	s5 =	sshll.u32 s28, $0x1;
	[dreg:$0x2] =	wrdreg s3  }
0xa9: {  	[dreg:$0x3] =	wrdreg s5  }
0xaa: {  	[dreg:$0x4] =	wrdreg $0xC0  }
0xab: {  	_ =	task [dreg:s7], $0x5FFFF  }
0xac: {  	[dreg:$0x1] =	wrdreg $0xFFFFFFFF  }
0xad: {  	[dreg:$0x0] =	wrdreg $0x60  }
0xae: {  	[dreg:$0x2] =	wrdreg s24  }
0xaf: {  	[dreg:$0x3] =	wrdreg s2  }
0xb0: {  	[dreg:$0x4] =	wrdreg $0x9  }
0xb1: {  	_ =	task.clear_ibuf [dreg:s7], $0x5FFFF;
	_ =	strace $0x90000046  }
0xb2: {  	s29 =	simm.s32 $0x9;
	_ =	strace $0x80000048  }
0xb3: {  	_ =	swait.ge [sflag:s29], $0x1  }
0xb4: {  	[sflag:s29] =	ssyncadd.s32 $0xFFFFFFFF  }
0xb5: {  	_ =	strace $0x90000048  }
0xb6: {  	_ =	sfence  }
0xb7: {  	s30 =	sld [smem:$0x0];
	_ =	sdelay $0x2  }
0xb8: {  	s31 =	sshll.u32 s1, $0xD;
	s1 =	sshrl.u32 s1, $0x2  }
0xb9: {  	s3 =	sand.u32 $0x4000, s31;
	s1 =	sadd.s32 s1, s30  }
0xba: {  	s0 =	sor.u32 s3, s0;
	s1 =	sshll.u32 s1, $0x11  }
0xbb: {  	s0 =	sor.u32 s1, s0  }
0xbc: {  	s0 =	sadd.s32 $0x8F2B, s0  }
0xbd: {  	[sflag:s0] =	ssyncadd.remote.s32 $0x1  }
0xbe: {  	_ =	sfence.sel $0xFFFF  }
0xbf: {  	[dreg:$0x0] =	wrdreg $0xFFFFFFFF;
	(pc) =	sbr.abs _section_cstart, $3  }
0xc0: {  	[dreg:$0x1] =	wrdreg $0xFFFFFFFF  }
0xc1: {  	_ =	task.clear_ibuf [dreg:s7], $0x2FFFF;
	_ =	strace $0x9FFFFFFF  }
0xc2: {  	(tm) =	ssettm $0x7FFFFFFF  }
0xc3: {  	_ =	shalt  }
tec
execute0_lowered:
.L_overlay_start_1:
0x0: {  	(tag) =	ssettag $0x1  }
0x1: {  	s1 =	srdreg.scid;
	s0 =	stileid.u32  }
0x2: {  	s4 =	rddreg [dreg:$0x0];
	s3 =	sand.u32 $0x1, s1;
	s30 =	sshll.u32 s0, $0x1  }
0x3: {  	s5 =	rddreg [dreg:$0x1];
	s2 =	simm.s32 $0x0;
	s1 =	sor.u32 s3, s30  }
0x4: {  	[smem:$0x7FF] =	sst s2;
	s3 =	ssub.s32 $0x2, s3;
	s6 =	smul.u32 $0x2710, s1  }
0x5: {  	s8 =	simm.s32 $0x0;
	s1 =	rddreg [dreg:$0x2];
	s7 =	sshrl.u32 s3, $0x1  }
0x6: {  	_ =	strace $0x80000047;
	s7 =	ssub.s32 s3, s7;
	s6 =	sshrl.u32 s6, $0x3  }
0x7: {  	s31 =	sadd.s32 s4, s6;
	s4 =	sadd.s32 s5, s6;
	s5 =	smax.u32 s7, $0x1  }
0x8: {  	v0 =	vimm.f32 $0.0e+00;
	v1 =	vimm.f32 $1.000000000e+00;
	s6 =	simm.s32 $0x1;
	s7 =	simm.s32 $0x2710;
	s3 =	sadd.s32 $0xBA40, s31  }
.LBB2_1:
0x9: {  	[tilespmem:s2], [sflag:$0x1] =	stream.linear.gather [hbm4b:s3+s2], $0x2710, $0x38;
	[tilespmem:$0x4E20] =	vst v63  }
0xa: {  	_ =	swait.ge [sflag:s6], $0x2710  }
0xb: {  	[sflag:s6] =	ssyncset.done $0x0  }
0xc: {  	s9 =	simm.s32 $0x0;
	[sflag:s6] =	ssyncadd.s32 $0xFFFFD8F0  }
.LBB2_2:
0xd: {  	p0 =	sne.s32 s9, $0x9C00  }
.Ltmp0:
0xe: {  	_ = 	snop;
	(pc) =	sbr.rel @p0 .LBB2_2-.Ltmp0, $3  }
0xf: {  	_ =	sdelay $0x1  }
0x10: {  	s10 =	sshra.s32 s9, $0x2  }
0x11: {  	s9 =	sadd.s32 $0x40, s9;
	[tilespmem:s10+$0x2710] =	vst v0  }
0x12: {  	s10 =	simm.s32 $0x0;
	s9 =	simm.s32 $0x40  }
.LBB2_4:
0x13: {  	p0 =	sne.s32 s9, $0x9C00;
	v2 =	vld [tilespmem:s10+$0x0];
	_ =	sdelay $0x3  }
.Ltmp1:
0x14: {  	(pc) =	sbr.rel @p0 .LBB2_4-.Ltmp1, $2  }
0x15: {  	_ =	sdelay $0x2  }
0x16: {  	s10 =	sshra.s32 s9, $0x2;
	s9 =	sadd.s32 $0x40, s9;
	[tilespmem:v2+s7+$0x0] =	vst.idx.add.f32.msk $0xffff, v1  }
0x17: {  	v2 =	vld [tilespmem:s10+$0x0];
	_ =	sdelay $0x5  }
0x18: {  	s8 =	sadd.s32 $0x1, s8  }
0x19: {  	p0 =	sne.s32 s8, s5  }
.Ltmp2:
0x1a: {  	[tilespmem:v2+s7+$0x0] =	vst.idx.add.f32.msk $0xffff, v1;
	(pc) =	sbr.rel @p0 .LBB2_1-.Ltmp2, $4  }
0x1b: {  	[hbm4b:s4+s2] =	stream.linear.scatter [tilespmem:s7], [sflag:$0x1], $0x2710, $0x38;
	[tilespmem:$0x4E20] =	vst v63  }
0x1c: {  	_ =	swait.ge [sflag:s6], $0x2710  }
0x1d: {  	[sflag:s6] =	ssyncset.done $0x0  }
0x1e: {  	[sflag:s6] =	ssyncadd.s32 $0xFFFFD8F0  }
0x1f: {  	_ =	sfence.sel $0x180000  }
0x20: {  	[bflag:$0x0] =	sbarrier.arrive $0xFFFF  }
0x21: {  	p0 =	sne.s32 s0, $0x0;
	_ =	strace $0x90000047  }
0x22: {  	s0 =	sadd.s32 @!p0 $0x100000, s1;
	[bflag:$0x2] =	sbarrier.arrive $0xFFFF  }
0x23: {  	[sflag:s0] =	ssyncadd.tile.s32 @!p0 $0x1;
	_ =	shalt  }
.Lfunc_end2:
_tile_overlayer_lowered:
.L_overlay_start_2:
0x24: {  	(tag) =	ssettag $0x2  }
0x25: {  	s0 =	rddreg [dreg:$0x0];
	s2 =	stileid.u32  }
0x26: {  	s1 =	rddreg [dreg:$0x1];
	p0 =	sne.s32 s2, $0x0  }
0x27: {  	s3 =	rddreg [dreg:$0x2];
	[bflag:$0x3] =	sbarrier.arrive $0xFFFF;
	s2 =	simm.s32 @!p0 $0x1C01  }
0x28: {  	[timem:s3], [sflag:s2] =	dma.local @!p0 [hbm:s0], s1  }
0x29: {  	s0 =	simm.s32 @!p0 $0x1  }
0x2a: {  	_ =	swait.ge @!p0 [sflag:s0], s1  }
0x2b: {  	s1 =	ssub.s32 @!p0 $0x0, s1;
	[sflag:s0] =	ssyncset.done @!p0 $0x0  }
0x2c: {  	[sflag:s0] =	ssyncadd.s32 @!p0 s1  }
0x2d: {  	[bflag:$0x3] =	sbarrier.arrive $0xFFFF  }
0x2e: {  	_ =	shalt  }

</sc_bundles>
